<compile_context>
chip_gen: v7x
topology: tpu7x:2x2x1
jax: 0.10.2.dev20260603
libtpu: 0.0.44.dev20260713+nightly
codegen_flags: <defaults>
</compile_context>

<pallas_src>
import functools

import jax
import jax.numpy as jnp
from jax import lax
from jax.experimental import pallas as pl
from jax.experimental.pallas import tpu as pltpu
from jax.experimental.pallas import tpu_sc as plsc

N_DONORS = 64
N_CLUSTERS = 32
N_GENES = 2000
N_VARIANTS = 5000
N_VXG = 10000
EPS = 1e-8
_HALF_LOG_2PI = 0.9189385332046727

_BLK = 512
_NW = 32
_SC_PAD = 10240
_HALF = _SC_PAD // 2
_ROWS_W = _HALF // _NW
_CHUNKS = ((0, 128), (128, 32))


def _lgamma_pos(x):
    q = x * x + 3.0 * x
    p = q * (q + 2.0)
    small = x < 4.0
    z = jnp.where(small, x + 4.0, x)
    zi = 1.0 / z
    zi2 = zi * zi
    ser = zi * (0.08333333333333333 + zi2 * (-0.002777777777777778
                                             + zi2 * 0.0007936507936507937))
    st = (z - 0.5) * jnp.log(z) - z + _HALF_LOG_2PI + ser
    return jnp.where(small, st - jnp.log(p), st)


def _stirling(z):
    zi = 1.0 / z
    zi2 = zi * zi
    ser = zi * (0.08333333333333333 + zi2 * (-0.002777777777777778
                                             + zi2 * 0.0007936507936507937))
    return (z - 0.5) * jnp.log(z) - z + ser


def _lgamma_diff(xa, xb):
    qa = xa * xa + 3.0 * xa
    pa = qa * (qa + 2.0)
    qb = xb * xb + 3.0 * xb
    pb = qb * (qb + 2.0)
    return _stirling(xb + 4.0) - _stirling(xa + 4.0) + jnp.log(pa / pb)


def _prep_body(baseline_ref, dispersion_ref, m_ref):
    disp = jnp.minimum(jnp.exp(dispersion_ref[...]), 20.0)
    tc = 1.0 / disp
    m_ref[0:N_CLUSTERS, :] = baseline_ref[...]
    m_ref[N_CLUSTERS:2 * N_CLUSTERS, :] = tc
    m_ref[2 * N_CLUSTERS:3 * N_CLUSTERS, :] = jnp.log(tc + EPS)
    m_ref[3 * N_CLUSTERS:4 * N_CLUSTERS, :] = _lgamma_pos(tc)


def _sc_gather(mt, genot, gene_idx, sel_idx):
    mesh = plsc.VectorSubcoreMesh(core_axis_name="c", subcore_axis_name="s")

    @functools.partial(
        pl.kernel,
        out_type=[jax.ShapeDtypeStruct((_HALF, 4 * N_CLUSTERS), jnp.float32),
                  jax.ShapeDtypeStruct((_HALF, 128), jnp.float32)],
        mesh=mesh,
        scratch_types=[pltpu.VMEM((_ROWS_W,), jnp.int32),
                       pltpu.VMEM((_ROWS_W,), jnp.int32),
                       pltpu.VMEM((_ROWS_W, 4 * N_CLUSTERS), jnp.float32),
                       pltpu.VMEM((_ROWS_W, 128), jnp.float32),
                       pltpu.SemaphoreType.DMA],
    )
    def k(mt_hbm, genot_hbm, gidx_hbm, sidx_hbm, mg_hbm, g_hbm,
          gidx_v, sidx_v, mrows_v, grows_v, sem):
        wid = lax.axis_index("s") * 2 + lax.axis_index("c")
        base = wid * _ROWS_W
        pltpu.sync_copy(gidx_hbm.at[pl.ds(base, _ROWS_W)], gidx_v)
        pltpu.sync_copy(sidx_hbm.at[pl.ds(base, _ROWS_W)], sidx_v)
        copies = []
        for off, sz in _CHUNKS:
            copies.append(pltpu.async_copy(mt_hbm.at[gidx_v.at[pl.ds(off, sz)]],
                                           mrows_v.at[pl.ds(off, sz)], sem))
            copies.append(pltpu.async_copy(genot_hbm.at[sidx_v.at[pl.ds(off, sz)]],
                                           grows_v.at[pl.ds(off, sz)], sem))
        for c in copies:
            c.wait()
        pltpu.sync_copy(mrows_v, mg_hbm.at[pl.ds(base, _ROWS_W)])
        pltpu.sync_copy(grows_v, g_hbm.at[pl.ds(base, _ROWS_W)])

    return k(mt, genot, gene_idx, sel_idx)


def _main_body(lidx_ref, fc_ref, mgt_ref, gt_ref, obs_ref,
               lib_ref, *rest):
    expressed_ref, elbo_ref = rest[-2], rest[-1]
    B = fc_ref.shape[-1]
    lidx = lidx_ref[0]

    iota_gene = lax.broadcasted_iota(jnp.int32, (N_GENES, B), 0)
    oh_lg = (iota_gene == lidx).astype(jnp.bfloat16)
    ident = (lax.broadcasted_iota(jnp.int32, (B, B), 0)
             == lax.broadcasted_iota(jnp.int32, (B, B), 1)).astype(jnp.float32)

    dnt = (((0,), (0,)), ((), ()))
    mg = lax.dot_general(mgt_ref[...], ident, dnt,
                         precision=lax.Precision.HIGHEST,
                         preferred_element_type=jnp.float32)
    g = lax.dot_general(gt_ref[:, 0:N_DONORS], ident, dnt,
                        precision=lax.Precision.HIGHEST,
                        preferred_element_type=jnp.float32)
    dn = (((1,), (0,)), ((), ()))
    value = lax.dot_general(obs_ref[...], oh_lg, dn,
                            preferred_element_type=jnp.float32)
    value = value.reshape(N_DONORS, N_CLUSTERS, B)

    baseline_g = mg[0:N_CLUSTERS]
    tc = mg[N_CLUSTERS:2 * N_CLUSTERS]
    l1 = mg[2 * N_CLUSTERS:3 * N_CLUSTERS]
    g0 = mg[3 * N_CLUSTERS:4 * N_CLUSTERS]

    el = baseline_g[None, :, :] + g[:, None, :] * fc_ref[...][None, :, :]
    expressed = jnp.exp(el) * lib_ref[...][:, :, None]
    expressed_ref[...] = expressed

    logits = jnp.log(expressed + EPS) - l1[None, :, :]
    sp = jnp.log(1.0 + jnp.exp(logits))
    tcv = tc[None, :, :] + value
    elbo = (tcv * sp - value * logits
            + _lgamma_diff(tcv, 1.0 + value) + g0[None, :, :])
    elbo_ref[...] = elbo


def kernel(fc_log, genotypes, expression_obs, variantxgene_to_gene,
           local_variant_to_local_variantxgene_selector, variantxgene_to_local_gene,
           lib, baseline_log, dispersion_log):
    nblk = _SC_PAD // _BLK
    pad = _SC_PAD - N_VXG

    m = pl.pallas_call(
        _prep_body,
        out_shape=jax.ShapeDtypeStruct((4 * N_CLUSTERS, N_GENES), jnp.float32),
    )(baseline_log, dispersion_log)

    gene_idx = jnp.pad(variantxgene_to_gene.astype(jnp.int32), (0, pad))
    sel_idx = jnp.pad(local_variant_to_local_variantxgene_selector.astype(jnp.int32), (0, pad))
    genot_pad = jnp.pad(genotypes.T, ((0, 0), (0, 128 - N_DONORS)))
    mt = m.T
    mg_1, g_1 = _sc_gather(mt, genot_pad, gene_idx[:_HALF], sel_idx[:_HALF])
    mg_2, g_2 = _sc_gather(mt, genot_pad, gene_idx[_HALF:], sel_idx[_HALF:])

    lidx = jnp.pad(variantxgene_to_local_gene.astype(jnp.int32), (0, pad)).reshape(nblk, 1, _BLK)
    obs_bf = expression_obs.reshape(N_DONORS * N_CLUSTERS, N_GENES).astype(jnp.bfloat16)

    hblk = _HALF // _BLK
    out_shape = [
        jax.ShapeDtypeStruct((N_DONORS, N_CLUSTERS, N_VXG), jnp.float32),
        jax.ShapeDtypeStruct((N_DONORS, N_CLUSTERS, N_VXG), jnp.float32),
    ]

    def _half_specs(h):
        out_specs = [
            pl.BlockSpec((N_DONORS, N_CLUSTERS, _BLK), lambda j: (0, 0, j + h * hblk)),
            pl.BlockSpec((N_DONORS, N_CLUSTERS, _BLK), lambda j: (0, 0, j + h * hblk)),
        ]
        in_specs = [
            pl.BlockSpec((1, 1, _BLK), lambda j: (j + h * hblk, 0, 0)),
            pl.BlockSpec((N_CLUSTERS, _BLK), lambda j: (0, j + h * hblk)),
            pl.BlockSpec((_BLK, 4 * N_CLUSTERS), lambda j: (j, 0)),
            pl.BlockSpec((_BLK, 128), lambda j: (j, 0)),
            pl.BlockSpec((N_DONORS * N_CLUSTERS, N_GENES), lambda j: (0, 0)),
            pl.BlockSpec((N_DONORS, N_CLUSTERS), lambda j: (0, 0)),
        ]
        return in_specs, out_specs

    in_specs1, out_specs1 = _half_specs(0)
    expressed, elbo = pl.pallas_call(
        _main_body,
        grid=(hblk,),
        in_specs=in_specs1,
        out_specs=out_specs1,
        out_shape=out_shape,
    )(lidx, fc_log, mg_1, g_1, obs_bf, lib)

    in_specs2, out_specs2 = _half_specs(1)
    in_specs2 += [pl.BlockSpec(memory_space=pl.ANY),
                  pl.BlockSpec(memory_space=pl.ANY)]
    expressed, elbo = pl.pallas_call(
        _main_body,
        grid=(hblk,),
        in_specs=in_specs2,
        out_specs=out_specs2,
        out_shape=out_shape,
        input_output_aliases={6: 0, 7: 1},
    )(lidx, fc_log, mg_2, g_2, obs_bf, lib, expressed, elbo)
    return expressed, elbo

# --- scband reference (transcript-rebuilt; emitter-appended) ---
"""Pipeline reference for scband-model-61572651155966 (READ-ONLY COPY).

The authoritative reference and input builder live on the scoring server;
editing this copy changes nothing except your own understanding.
"""

import jax, jax.numpy as jnp
import numpy as np
from jax.scipy.special import gammaln

N_DONORS = 64
N_CLUSTERS = 32
N_GENES = 2000
N_VARIANTS = 5000
N_VXG = 10000
EPS = 1e-8


def setup_inputs(seed: int = 0) -> dict:
    key = jax.random.key(seed)
    ks = jax.random.split(key, 9)
    fc_log = jax.random.normal(ks[0], (N_CLUSTERS, N_VXG), dtype=jnp.float32)
    genotypes = jax.random.randint(ks[1], (N_DONORS, N_VARIANTS), 0, 3).astype(jnp.float32)
    expression_obs = jax.random.randint(ks[2], (N_DONORS, N_CLUSTERS, N_GENES), 0, 50).astype(jnp.int32)
    variantxgene_to_gene = jax.random.randint(ks[3], (N_VXG,), 0, N_GENES).astype(jnp.int64)
    local_variant_to_local_variantxgene_selector = jax.random.randint(ks[4], (N_VXG,), 0, N_VARIANTS).astype(jnp.int64)
    variantxgene_to_local_gene = jax.random.randint(ks[5], (N_VXG,), 0, N_GENES).astype(jnp.int64)
    lib = jax.random.uniform(ks[6], (N_DONORS, N_CLUSTERS), dtype=jnp.float32)
    baseline_log = jax.random.normal(ks[7], (N_CLUSTERS, N_GENES), dtype=jnp.float32)
    dispersion_log = jax.random.normal(ks[8], (N_CLUSTERS, N_GENES), dtype=jnp.float32)
    return {
        'fc_log': fc_log,
        'genotypes': genotypes,
        'expression_obs': expression_obs,
        'variantxgene_to_gene': variantxgene_to_gene,
        'local_variant_to_local_variantxgene_selector': local_variant_to_local_variantxgene_selector,
        'variantxgene_to_local_gene': variantxgene_to_local_gene,
        'lib': lib,
        'baseline_log': baseline_log,
        'dispersion_log': dispersion_log,
    }


def reference(fc_log, genotypes, expression_obs, variantxgene_to_gene,
              local_variant_to_local_variantxgene_selector, variantxgene_to_local_gene,
              lib, baseline_log, dispersion_log):
    # genotypes = genotypes[:, selector]  (gather over variants -> variantxgene)
    g = jnp.take(genotypes, local_variant_to_local_variantxgene_selector, axis=1)  # [D, VXG]
    # expression_delta = genotypes.unsqueeze(1) * fc_log.unsqueeze(0)
    expression_delta = g[:, None, :] * fc_log[None, :, :]  # [D, C, VXG]
    # baseline_log[:, variantxgene_to_gene]  (gather over genes -> variantxgene)
    baseline_g = jnp.take(baseline_log, variantxgene_to_gene, axis=1)  # [C, VXG]
    expression_log = baseline_g[None, :, :] + expression_delta  # [D, C, VXG]
    expression = jnp.exp(expression_log)
    expressed = expression * lib[:, :, None]  # [D, C, VXG]
    # dispersion = exp(dispersion_log)[:, variantxgene_to_gene]
    dispersion = jnp.take(jnp.exp(dispersion_log), variantxgene_to_gene, axis=1)  # [C, VXG]
    # NegativeBinomial2: clamp_max(dispersion, 20.0)
    dispersion = jnp.minimum(dispersion, 20.0)
    mu = expressed
    logits = jnp.log(mu + EPS) - jnp.log(1.0 / dispersion + EPS)
    total_count = 1.0 / dispersion  # [C, VXG], broadcasts against [D, C, VXG]
    # expression_obs = expression_obs[:, :, variantxgene_to_local_gene]
    value = jnp.take(expression_obs, variantxgene_to_local_gene, axis=2).astype(jnp.float32)  # [D, C, VXG]
    # torch NegativeBinomial.log_prob
    log_unnormalized = total_count * jax.nn.log_sigmoid(-logits) + value * jax.nn.log_sigmoid(logits)
    log_normalization = -gammaln(total_count + value) + gammaln(1.0 + value) + gammaln(total_count)
    log_normalization = jnp.where(total_count + value == 0.0, 0.0, log_normalization)
    expression_likelihood = log_unnormalized - log_normalization
    elbo = -expression_likelihood
    return expressed, elbo

if __name__ == "__main__":
    import jax
    _d = setup_inputs()
    print(jax.jit(kernel)(*tuple(_d.values())))

</pallas_src>

<mosaic_0001>
#map = affine_map<(d0, d1) -> (0, 0)>
#map1 = affine_map<(d0, d1) -> (0)>
module attributes {stable_mosaic.version = 14 : i64} {
  func.func @k(%arg0: i32, %arg1: i32, %arg2: memref<2000x128xf32, #tpu.memory_space<hbm>>, %arg3: memref<5000x128xf32, #tpu.memory_space<hbm>>, %arg4: memref<5120xi32, #tpu.memory_space<hbm>>, %arg5: memref<5120xi32, #tpu.memory_space<hbm>>, %arg6: memref<5120x128xf32, #tpu.memory_space<hbm>>, %arg7: memref<5120x128xf32, #tpu.memory_space<hbm>>, %arg8: memref<160xi32, #tpu.memory_space<vmem>>, %arg9: memref<160xi32, #tpu.memory_space<vmem>>, %arg10: memref<160x128xf32, #tpu.memory_space<vmem>>, %arg11: memref<160x128xf32, #tpu.memory_space<vmem>>, %arg12: memref<!tpu.dma_semaphore, #tpu.memory_space<semaphore_mem>>) attributes {dimension_semantics = [#tpu.dimension_semantics<core_parallel>, #tpu.dimension_semantics<subcore_parallel>], iteration_bounds = array<i64: 2, 16>, scalar_prefetch = 0 : i64, scratch_operands = 5 : i64, tpu.core_type = #tpu.core_type<sc_vector_subcore>, window_params = [{transform_indices = #map}, {transform_indices = #map}, {transform_indices = #map1}, {transform_indices = #map1}, {transform_indices = #map}, {transform_indices = #map}]} {
    %mul3A = arith.constant 2 : i32
    %mul3A_0 = arith.muli %arg1, %mul3A : i32
    %add3A = arith.addi %mul3A_0, %arg0 : i32
    %mul3A_1 = arith.constant 160 : i32
    %mul3A_2 = arith.muli %add3A, %mul3A_1 : i32
    "tpu.region"() ({
      %run_scoped3A = tpu.sem_alloc : memref<!tpu.dma_semaphore, #tpu.memory_space<semaphore_mem>>
      %dma_start3A_65 = tpu.memref_slice %arg4[%mul3A_2] : memref<5120xi32, #tpu.memory_space<hbm>> -> memref<160xi32, #tpu.memory_space<hbm>>
      %dma_start3A_66 = tpu.memref_slice %arg4[%mul3A_2] : memref<5120xi32, #tpu.memory_space<hbm>> -> memref<160xi32, #tpu.memory_space<hbm>>
      tpu.enqueue_dma source(%dma_start3A_66 : memref<160xi32, #tpu.memory_space<hbm>>) target(%arg8 : memref<160xi32, #tpu.memory_space<vmem>>) target_semaphore(%run_scoped3A : memref<!tpu.dma_semaphore, #tpu.memory_space<semaphore_mem>>)
      %dma_wait3A_67 = tpu.memref_slice %arg4[%mul3A_2] : memref<5120xi32, #tpu.memory_space<hbm>> -> memref<160xi32, #tpu.memory_space<hbm>>
      %dma_wait3A_68 = tpu.memref_slice %arg4[%mul3A_2] : memref<5120xi32, #tpu.memory_space<hbm>> -> memref<160xi32, #tpu.memory_space<hbm>>
      tpu.wait_dma2 semaphore(%run_scoped3A : memref<!tpu.dma_semaphore, #tpu.memory_space<semaphore_mem>>) src(%dma_wait3A_68 : memref<160xi32, #tpu.memory_space<hbm>>) dst(%arg8 : memref<160xi32, #tpu.memory_space<vmem>>)
      tpu.yield
    }) : () -> ()
    "tpu.region"() ({
      %run_scoped3A = tpu.sem_alloc : memref<!tpu.dma_semaphore, #tpu.memory_space<semaphore_mem>>
      %dma_start3A_65 = tpu.memref_slice %arg5[%mul3A_2] : memref<5120xi32, #tpu.memory_space<hbm>> -> memref<160xi32, #tpu.memory_space<hbm>>
      %dma_start3A_66 = tpu.memref_slice %arg5[%mul3A_2] : memref<5120xi32, #tpu.memory_space<hbm>> -> memref<160xi32, #tpu.memory_space<hbm>>
      tpu.enqueue_dma source(%dma_start3A_66 : memref<160xi32, #tpu.memory_space<hbm>>) target(%arg9 : memref<160xi32, #tpu.memory_space<vmem>>) target_semaphore(%run_scoped3A : memref<!tpu.dma_semaphore, #tpu.memory_space<semaphore_mem>>)
      %dma_wait3A_67 = tpu.memref_slice %arg5[%mul3A_2] : memref<5120xi32, #tpu.memory_space<hbm>> -> memref<160xi32, #tpu.memory_space<hbm>>
      %dma_wait3A_68 = tpu.memref_slice %arg5[%mul3A_2] : memref<5120xi32, #tpu.memory_space<hbm>> -> memref<160xi32, #tpu.memory_space<hbm>>
      tpu.wait_dma2 semaphore(%run_scoped3A : memref<!tpu.dma_semaphore, #tpu.memory_space<semaphore_mem>>) src(%dma_wait3A_68 : memref<160xi32, #tpu.memory_space<hbm>>) dst(%arg9 : memref<160xi32, #tpu.memory_space<vmem>>)
      tpu.yield
    }) : () -> ()
    %dma_start3A = arith.constant 0 : i32
    %dma_start3A_3 = arith.constant 0 : i32
    %dma_start3A_4 = tpu.memref_slice %arg10[%dma_start3A, %dma_start3A_3] : memref<160x128xf32, #tpu.memory_space<vmem>> -> memref<128x128xf32, #tpu.memory_space<vmem>>
    %dma_start3A_5 = arith.constant 0 : i32
    %dma_start3A_6 = tpu.memref_slice %arg8[%dma_start3A_5] : memref<160xi32, #tpu.memory_space<vmem>> -> memref<128xi32, #tpu.memory_space<vmem>>
    %dma_start3A_7 = arith.constant 0 : i32
    %dma_start3A_8 = arith.constant 0 : i32
    %dma_start3A_9 = tpu.memref_slice %arg2[%dma_start3A_7, %dma_start3A_8] : memref<2000x128xf32, #tpu.memory_space<hbm>> -> memref<2000x128xf32, #tpu.memory_space<hbm>>
    tpu.enqueue_indirect_dma source(%dma_start3A_9 : memref<2000x128xf32, #tpu.memory_space<hbm>>) target(%dma_start3A_4 : memref<128x128xf32, #tpu.memory_space<vmem>>) offsets(%dma_start3A_6 : memref<128xi32, #tpu.memory_space<vmem>>) semaphore(%arg12 : memref<!tpu.dma_semaphore, #tpu.memory_space<semaphore_mem>>)
    %dma_start3A_10 = arith.constant 0 : i32
    %dma_start3A_11 = arith.constant 0 : i32
    %dma_start3A_12 = tpu.memref_slice %arg11[%dma_start3A_10, %dma_start3A_11] : memref<160x128xf32, #tpu.memory_space<vmem>> -> memref<128x128xf32, #tpu.memory_space<vmem>>
    %dma_start3A_13 = arith.constant 0 : i32
    %dma_start3A_14 = tpu.memref_slice %arg9[%dma_start3A_13] : memref<160xi32, #tpu.memory_space<vmem>> -> memref<128xi32, #tpu.memory_space<vmem>>
    %dma_start3A_15 = arith.constant 0 : i32
    %dma_start3A_16 = arith.constant 0 : i32
    %dma_start3A_17 = tpu.memref_slice %arg3[%dma_start3A_15, %dma_start3A_16] : memref<5000x128xf32, #tpu.memory_space<hbm>> -> memref<5000x128xf32, #tpu.memory_space<hbm>>
    tpu.enqueue_indirect_dma source(%dma_start3A_17 : memref<5000x128xf32, #tpu.memory_space<hbm>>) target(%dma_start3A_12 : memref<128x128xf32, #tpu.memory_space<vmem>>) offsets(%dma_start3A_14 : memref<128xi32, #tpu.memory_space<vmem>>) semaphore(%arg12 : memref<!tpu.dma_semaphore, #tpu.memory_space<semaphore_mem>>)
    %dma_start3A_18 = arith.constant 128 : i32
    %dma_start3A_19 = arith.constant 0 : i32
    %dma_start3A_20 = tpu.memref_slice %arg10[%dma_start3A_18, %dma_start3A_19] : memref<160x128xf32, #tpu.memory_space<vmem>> -> memref<32x128xf32, #tpu.memory_space<vmem>>
    %dma_start3A_21 = arith.constant 128 : i32
    %dma_start3A_22 = tpu.memref_slice %arg8[%dma_start3A_21] : memref<160xi32, #tpu.memory_space<vmem>> -> memref<32xi32, #tpu.memory_space<vmem>>
    %dma_start3A_23 = arith.constant 0 : i32
    %dma_start3A_24 = arith.constant 0 : i32
    %dma_start3A_25 = tpu.memref_slice %arg2[%dma_start3A_23, %dma_start3A_24] : memref<2000x128xf32, #tpu.memory_space<hbm>> -> memref<2000x128xf32, #tpu.memory_space<hbm>>
    tpu.enqueue_indirect_dma source(%dma_start3A_25 : memref<2000x128xf32, #tpu.memory_space<hbm>>) target(%dma_start3A_20 : memref<32x128xf32, #tpu.memory_space<vmem>>) offsets(%dma_start3A_22 : memref<32xi32, #tpu.memory_space<vmem>>) semaphore(%arg12 : memref<!tpu.dma_semaphore, #tpu.memory_space<semaphore_mem>>)
    %dma_start3A_26 = arith.constant 128 : i32
    %dma_start3A_27 = arith.constant 0 : i32
    %dma_start3A_28 = tpu.memref_slice %arg11[%dma_start3A_26, %dma_start3A_27] : memref<160x128xf32, #tpu.memory_space<vmem>> -> memref<32x128xf32, #tpu.memory_space<vmem>>
    %dma_start3A_29 = arith.constant 128 : i32
    %dma_start3A_30 = tpu.memref_slice %arg9[%dma_start3A_29] : memref<160xi32, #tpu.memory_space<vmem>> -> memref<32xi32, #tpu.memory_space<vmem>>
    %dma_start3A_31 = arith.constant 0 : i32
    %dma_start3A_32 = arith.constant 0 : i32
    %dma_start3A_33 = tpu.memref_slice %arg3[%dma_start3A_31, %dma_start3A_32] : memref<5000x128xf32, #tpu.memory_space<hbm>> -> memref<5000x128xf32, #tpu.memory_space<hbm>>
    tpu.enqueue_indirect_dma source(%dma_start3A_33 : memref<5000x128xf32, #tpu.memory_space<hbm>>) target(%dma_start3A_28 : memref<32x128xf32, #tpu.memory_space<vmem>>) offsets(%dma_start3A_30 : memref<32xi32, #tpu.memory_space<vmem>>) semaphore(%arg12 : memref<!tpu.dma_semaphore, #tpu.memory_space<semaphore_mem>>)
    %dma_wait3A = arith.constant 0 : i32
    %dma_wait3A_34 = arith.constant 0 : i32
    %dma_wait3A_35 = tpu.memref_slice %arg10[%dma_wait3A, %dma_wait3A_34] : memref<160x128xf32, #tpu.memory_space<vmem>> -> memref<128x128xf32, #tpu.memory_space<vmem>>
    %dma_wait3A_36 = arith.constant 0 : i32
    %dma_wait3A_37 = tpu.memref_slice %arg8[%dma_wait3A_36] : memref<160xi32, #tpu.memory_space<vmem>> -> memref<128xi32, #tpu.memory_space<vmem>>
    %dma_wait3A_38 = arith.constant 0 : i32
    %dma_wait3A_39 = arith.constant 0 : i32
    %dma_wait3A_40 = tpu.memref_slice %arg2[%dma_wait3A_38, %dma_wait3A_39] : memref<2000x128xf32, #tpu.memory_space<hbm>> -> memref<2000x128xf32, #tpu.memory_space<hbm>>
    tpu.wait_indirect_dma semaphore(%arg12 : memref<!tpu.dma_semaphore, #tpu.memory_space<semaphore_mem>>) src(%dma_wait3A_40 : memref<2000x128xf32, #tpu.memory_space<hbm>>) dst(%dma_wait3A_35 : memref<128x128xf32, #tpu.memory_space<vmem>>)
    %dma_wait3A_41 = arith.constant 0 : i32
    %dma_wait3A_42 = arith.constant 0 : i32
    %dma_wait3A_43 = tpu.memref_slice %arg11[%dma_wait3A_41, %dma_wait3A_42] : memref<160x128xf32, #tpu.memory_space<vmem>> -> memref<128x128xf32, #tpu.memory_space<vmem>>
    %dma_wait3A_44 = arith.constant 0 : i32
    %dma_wait3A_45 = tpu.memref_slice %arg9[%dma_wait3A_44] : memref<160xi32, #tpu.memory_space<vmem>> -> memref<128xi32, #tpu.memory_space<vmem>>
    %dma_wait3A_46 = arith.constant 0 : i32
    %dma_wait3A_47 = arith.constant 0 : i32
    %dma_wait3A_48 = tpu.memref_slice %arg3[%dma_wait3A_46, %dma_wait3A_47] : memref<5000x128xf32, #tpu.memory_space<hbm>> -> memref<5000x128xf32, #tpu.memory_space<hbm>>
    tpu.wait_indirect_dma semaphore(%arg12 : memref<!tpu.dma_semaphore, #tpu.memory_space<semaphore_mem>>) src(%dma_wait3A_48 : memref<5000x128xf32, #tpu.memory_space<hbm>>) dst(%dma_wait3A_43 : memref<128x128xf32, #tpu.memory_space<vmem>>)
    %dma_wait3A_49 = arith.constant 128 : i32
    %dma_wait3A_50 = arith.constant 0 : i32
    %dma_wait3A_51 = tpu.memref_slice %arg10[%dma_wait3A_49, %dma_wait3A_50] : memref<160x128xf32, #tpu.memory_space<vmem>> -> memref<32x128xf32, #tpu.memory_space<vmem>>
    %dma_wait3A_52 = arith.constant 128 : i32
    %dma_wait3A_53 = tpu.memref_slice %arg8[%dma_wait3A_52] : memref<160xi32, #tpu.memory_space<vmem>> -> memref<32xi32, #tpu.memory_space<vmem>>
    %dma_wait3A_54 = arith.constant 0 : i32
    %dma_wait3A_55 = arith.constant 0 : i32
    %dma_wait3A_56 = tpu.memref_slice %arg2[%dma_wait3A_54, %dma_wait3A_55] : memref<2000x128xf32, #tpu.memory_space<hbm>> -> memref<2000x128xf32, #tpu.memory_space<hbm>>
    tpu.wait_indirect_dma semaphore(%arg12 : memref<!tpu.dma_semaphore, #tpu.memory_space<semaphore_mem>>) src(%dma_wait3A_56 : memref<2000x128xf32, #tpu.memory_space<hbm>>) dst(%dma_wait3A_51 : memref<32x128xf32, #tpu.memory_space<vmem>>)
    %dma_wait3A_57 = arith.constant 128 : i32
    %dma_wait3A_58 = arith.constant 0 : i32
    %dma_wait3A_59 = tpu.memref_slice %arg11[%dma_wait3A_57, %dma_wait3A_58] : memref<160x128xf32, #tpu.memory_space<vmem>> -> memref<32x128xf32, #tpu.memory_space<vmem>>
    %dma_wait3A_60 = arith.constant 128 : i32
    %dma_wait3A_61 = tpu.memref_slice %arg9[%dma_wait3A_60] : memref<160xi32, #tpu.memory_space<vmem>> -> memref<32xi32, #tpu.memory_space<vmem>>
    %dma_wait3A_62 = arith.constant 0 : i32
    %dma_wait3A_63 = arith.constant 0 : i32
    %dma_wait3A_64 = tpu.memref_slice %arg3[%dma_wait3A_62, %dma_wait3A_63] : memref<5000x128xf32, #tpu.memory_space<hbm>> -> memref<5000x128xf32, #tpu.memory_space<hbm>>
    tpu.wait_indirect_dma semaphore(%arg12 : memref<!tpu.dma_semaphore, #tpu.memory_space<semaphore_mem>>) src(%dma_wait3A_64 : memref<5000x128xf32, #tpu.memory_space<hbm>>) dst(%dma_wait3A_59 : memref<32x128xf32, #tpu.memory_space<vmem>>)
    "tpu.region"() ({
      %run_scoped3A = tpu.sem_alloc : memref<!tpu.dma_semaphore, #tpu.memory_space<semaphore_mem>>
      %dma_start3A_65 = arith.constant 0 : i32
      %dma_start3A_66 = tpu.memref_slice %arg6[%mul3A_2, %dma_start3A_65] : memref<5120x128xf32, #tpu.memory_space<hbm>> -> memref<160x128xf32, #tpu.memory_space<hbm>>
      %dma_start3A_67 = arith.constant 0 : i32
      %dma_start3A_68 = tpu.memref_slice %arg6[%mul3A_2, %dma_start3A_67] : memref<5120x128xf32, #tpu.memory_space<hbm>> -> memref<160x128xf32, #tpu.memory_space<hbm>>
      tpu.enqueue_dma source(%arg10 : memref<160x128xf32, #tpu.memory_space<vmem>>) target(%dma_start3A_68 : memref<160x128xf32, #tpu.memory_space<hbm>>) target_semaphore(%run_scoped3A : memref<!tpu.dma_semaphore, #tpu.memory_space<semaphore_mem>>)
      %dma_wait3A_69 = arith.constant 0 : i32
      %dma_wait3A_70 = tpu.memref_slice %arg6[%mul3A_2, %dma_wait3A_69] : memref<5120x128xf32, #tpu.memory_space<hbm>> -> memref<160x128xf32, #tpu.memory_space<hbm>>
      %dma_wait3A_71 = arith.constant 0 : i32
      %dma_wait3A_72 = tpu.memref_slice %arg6[%mul3A_2, %dma_wait3A_71] : memref<5120x128xf32, #tpu.memory_space<hbm>> -> memref<160x128xf32, #tpu.memory_space<hbm>>
      tpu.wait_dma2 semaphore(%run_scoped3A : memref<!tpu.dma_semaphore, #tpu.memory_space<semaphore_mem>>) src(%arg10 : memref<160x128xf32, #tpu.memory_space<vmem>>) dst(%dma_wait3A_72 : memref<160x128xf32, #tpu.memory_space<hbm>>)
      tpu.yield
    }) : () -> ()
    "tpu.region"() ({
      %run_scoped3A = tpu.sem_alloc : memref<!tpu.dma_semaphore, #tpu.memory_space<semaphore_mem>>
      %dma_start3A_65 = arith.constant 0 : i32
      %dma_start3A_66 = tpu.memref_slice %arg7[%mul3A_2, %dma_start3A_65] : memref<5120x128xf32, #tpu.memory_space<hbm>> -> memref<160x128xf32, #tpu.memory_space<hbm>>
      %dma_start3A_67 = arith.constant 0 : i32
      %dma_start3A_68 = tpu.memref_slice %arg7[%mul3A_2, %dma_start3A_67] : memref<5120x128xf32, #tpu.memory_space<hbm>> -> memref<160x128xf32, #tpu.memory_space<hbm>>
      tpu.enqueue_dma source(%arg11 : memref<160x128xf32, #tpu.memory_space<vmem>>) target(%dma_start3A_68 : memref<160x128xf32, #tpu.memory_space<hbm>>) target_semaphore(%run_scoped3A : memref<!tpu.dma_semaphore, #tpu.memory_space<semaphore_mem>>)
      %dma_wait3A_69 = arith.constant 0 : i32
      %dma_wait3A_70 = tpu.memref_slice %arg7[%mul3A_2, %dma_wait3A_69] : memref<5120x128xf32, #tpu.memory_space<hbm>> -> memref<160x128xf32, #tpu.memory_space<hbm>>
      %dma_wait3A_71 = arith.constant 0 : i32
      %dma_wait3A_72 = tpu.memref_slice %arg7[%mul3A_2, %dma_wait3A_71] : memref<5120x128xf32, #tpu.memory_space<hbm>> -> memref<160x128xf32, #tpu.memory_space<hbm>>
      tpu.wait_dma2 semaphore(%run_scoped3A : memref<!tpu.dma_semaphore, #tpu.memory_space<semaphore_mem>>) src(%arg11 : memref<160x128xf32, #tpu.memory_space<vmem>>) dst(%dma_wait3A_72 : memref<160x128xf32, #tpu.memory_space<hbm>>)
      tpu.yield
    }) : () -> ()
    return
  }
}

#map = affine_map<(d0, d1) -> (0, 0)>
#map1 = affine_map<(d0, d1) -> (0)>
module attributes {stable_mosaic.version = 14 : i64} {
  func.func @k(%arg0: i32, %arg1: i32, %arg2: memref<2000x128xf32, #tpu.memory_space<hbm>>, %arg3: memref<5000x128xf32, #tpu.memory_space<hbm>>, %arg4: memref<5120xi32, #tpu.memory_space<hbm>>, %arg5: memref<5120xi32, #tpu.memory_space<hbm>>, %arg6: memref<5120x128xf32, #tpu.memory_space<hbm>>, %arg7: memref<5120x128xf32, #tpu.memory_space<hbm>>, %arg8: memref<160xi32, #tpu.memory_space<vmem>>, %arg9: memref<160xi32, #tpu.memory_space<vmem>>, %arg10: memref<160x128xf32, #tpu.memory_space<vmem>>, %arg11: memref<160x128xf32, #tpu.memory_space<vmem>>, %arg12: memref<!tpu.dma_semaphore, #tpu.memory_space<semaphore_mem>>) attributes {dimension_semantics = [#tpu.dimension_semantics<core_parallel>, #tpu.dimension_semantics<subcore_parallel>], iteration_bounds = array<i64: 2, 16>, scalar_prefetch = 0 : i64, scratch_operands = 5 : i64, tpu.core_type = #tpu.core_type<sc_vector_subcore>, window_params = [{transform_indices = #map}, {transform_indices = #map}, {transform_indices = #map1}, {transform_indices = #map1}, {transform_indices = #map}, {transform_indices = #map}]} {
    %mul3A = arith.constant 2 : i32
    %mul3A_0 = arith.muli %arg1, %mul3A : i32
    %add3A = arith.addi %mul3A_0, %arg0 : i32
    %mul3A_1 = arith.constant 160 : i32
    %mul3A_2 = arith.muli %add3A, %mul3A_1 : i32
    "tpu.region"() ({
      %run_scoped3A = tpu.sem_alloc : memref<!tpu.dma_semaphore, #tpu.memory_space<semaphore_mem>>
      %dma_start3A_65 = tpu.memref_slice %arg4[%mul3A_2] : memref<5120xi32, #tpu.memory_space<hbm>> -> memref<160xi32, #tpu.memory_space<hbm>>
      %dma_start3A_66 = tpu.memref_slice %arg4[%mul3A_2] : memref<5120xi32, #tpu.memory_space<hbm>> -> memref<160xi32, #tpu.memory_space<hbm>>
      tpu.enqueue_dma source(%dma_start3A_66 : memref<160xi32, #tpu.memory_space<hbm>>) target(%arg8 : memref<160xi32, #tpu.memory_space<vmem>>) target_semaphore(%run_scoped3A : memref<!tpu.dma_semaphore, #tpu.memory_space<semaphore_mem>>)
      %dma_wait3A_67 = tpu.memref_slice %arg4[%mul3A_2] : memref<5120xi32, #tpu.memory_space<hbm>> -> memref<160xi32, #tpu.memory_space<hbm>>
      %dma_wait3A_68 = tpu.memref_slice %arg4[%mul3A_2] : memref<5120xi32, #tpu.memory_space<hbm>> -> memref<160xi32, #tpu.memory_space<hbm>>
      tpu.wait_dma2 semaphore(%run_scoped3A : memref<!tpu.dma_semaphore, #tpu.memory_space<semaphore_mem>>) src(%dma_wait3A_68 : memref<160xi32, #tpu.memory_space<hbm>>) dst(%arg8 : memref<160xi32, #tpu.memory_space<vmem>>)
      tpu.yield
    }) : () -> ()
    "tpu.region"() ({
      %run_scoped3A = tpu.sem_alloc : memref<!tpu.dma_semaphore, #tpu.memory_space<semaphore_mem>>
      %dma_start3A_65 = tpu.memref_slice %arg5[%mul3A_2] : memref<5120xi32, #tpu.memory_space<hbm>> -> memref<160xi32, #tpu.memory_space<hbm>>
      %dma_start3A_66 = tpu.memref_slice %arg5[%mul3A_2] : memref<5120xi32, #tpu.memory_space<hbm>> -> memref<160xi32, #tpu.memory_space<hbm>>
      tpu.enqueue_dma source(%dma_start3A_66 : memref<160xi32, #tpu.memory_space<hbm>>) target(%arg9 : memref<160xi32, #tpu.memory_space<vmem>>) target_semaphore(%run_scoped3A : memref<!tpu.dma_semaphore, #tpu.memory_space<semaphore_mem>>)
      %dma_wait3A_67 = tpu.memref_slice %arg5[%mul3A_2] : memref<5120xi32, #tpu.memory_space<hbm>> -> memref<160xi32, #tpu.memory_space<hbm>>
      %dma_wait3A_68 = tpu.memref_slice %arg5[%mul3A_2] : memref<5120xi32, #tpu.memory_space<hbm>> -> memref<160xi32, #tpu.memory_space<hbm>>
      tpu.wait_dma2 semaphore(%run_scoped3A : memref<!tpu.dma_semaphore, #tpu.memory_space<semaphore_mem>>) src(%dma_wait3A_68 : memref<160xi32, #tpu.memory_space<hbm>>) dst(%arg9 : memref<160xi32, #tpu.memory_space<vmem>>)
      tpu.yield
    }) : () -> ()
    %dma_start3A = arith.constant 0 : i32
    %dma_start3A_3 = arith.constant 0 : i32
    %dma_start3A_4 = tpu.memref_slice %arg10[%dma_start3A, %dma_start3A_3] : memref<160x128xf32, #tpu.memory_space<vmem>> -> memref<128x128xf32, #tpu.memory_space<vmem>>
    %dma_start3A_5 = arith.constant 0 : i32
    %dma_start3A_6 = tpu.memref_slice %arg8[%dma_start3A_5] : memref<160xi32, #tpu.memory_space<vmem>> -> memref<128xi32, #tpu.memory_space<vmem>>
    %dma_start3A_7 = arith.constant 0 : i32
    %dma_start3A_8 = arith.constant 0 : i32
    %dma_start3A_9 = tpu.memref_slice %arg2[%dma_start3A_7, %dma_start3A_8] : memref<2000x128xf32, #tpu.memory_space<hbm>> -> memref<2000x128xf32, #tpu.memory_space<hbm>>
    tpu.enqueue_indirect_dma source(%dma_start3A_9 : memref<2000x128xf32, #tpu.memory_space<hbm>>) target(%dma_start3A_4 : memref<128x128xf32, #tpu.memory_space<vmem>>) offsets(%dma_start3A_6 : memref<128xi32, #tpu.memory_space<vmem>>) semaphore(%arg12 : memref<!tpu.dma_semaphore, #tpu.memory_space<semaphore_mem>>)
    %dma_start3A_10 = arith.constant 0 : i32
    %dma_start3A_11 = arith.constant 0 : i32
    %dma_start3A_12 = tpu.memref_slice %arg11[%dma_start3A_10, %dma_start3A_11] : memref<160x128xf32, #tpu.memory_space<vmem>> -> memref<128x128xf32, #tpu.memory_space<vmem>>
    %dma_start3A_13 = arith.constant 0 : i32
    %dma_start3A_14 = tpu.memref_slice %arg9[%dma_start3A_13] : memref<160xi32, #tpu.memory_space<vmem>> -> memref<128xi32, #tpu.memory_space<vmem>>
    %dma_start3A_15 = arith.constant 0 : i32
    %dma_start3A_16 = arith.constant 0 : i32
    %dma_start3A_17 = tpu.memref_slice %arg3[%dma_start3A_15, %dma_start3A_16] : memref<5000x128xf32, #tpu.memory_space<hbm>> -> memref<5000x128xf32, #tpu.memory_space<hbm>>
    tpu.enqueue_indirect_dma source(%dma_start3A_17 : memref<5000x128xf32, #tpu.memory_space<hbm>>) target(%dma_start3A_12 : memref<128x128xf32, #tpu.memory_space<vmem>>) offsets(%dma_start3A_14 : memref<128xi32, #tpu.memory_space<vmem>>) semaphore(%arg12 : memref<!tpu.dma_semaphore, #tpu.memory_space<semaphore_mem>>)
    %dma_start3A_18 = arith.constant 128 : i32
    %dma_start3A_19 = arith.constant 0 : i32
    %dma_start3A_20 = tpu.memref_slice %arg10[%dma_start3A_18, %dma_start3A_19] : memref<160x128xf32, #tpu.memory_space<vmem>> -> memref<32x128xf32, #tpu.memory_space<vmem>>
    %dma_start3A_21 = arith.constant 128 : i32
    %dma_start3A_22 = tpu.memref_slice %arg8[%dma_start3A_21] : memref<160xi32, #tpu.memory_space<vmem>> -> memref<32xi32, #tpu.memory_space<vmem>>
    %dma_start3A_23 = arith.constant 0 : i32
    %dma_start3A_24 = arith.constant 0 : i32
    %dma_start3A_25 = tpu.memref_slice %arg2[%dma_start3A_23, %dma_start3A_24] : memref<2000x128xf32, #tpu.memory_space<hbm>> -> memref<2000x128xf32, #tpu.memory_space<hbm>>
    tpu.enqueue_indirect_dma source(%dma_start3A_25 : memref<2000x128xf32, #tpu.memory_space<hbm>>) target(%dma_start3A_20 : memref<32x128xf32, #tpu.memory_space<vmem>>) offsets(%dma_start3A_22 : memref<32xi32, #tpu.memory_space<vmem>>) semaphore(%arg12 : memref<!tpu.dma_semaphore, #tpu.memory_space<semaphore_mem>>)
    %dma_start3A_26 = arith.constant 128 : i32
    %dma_start3A_27 = arith.constant 0 : i32
    %dma_start3A_28 = tpu.memref_slice %arg11[%dma_start3A_26, %dma_start3A_27] : memref<160x128xf32, #tpu.memory_space<vmem>> -> memref<32x128xf32, #tpu.memory_space<vmem>>
    %dma_start3A_29 = arith.constant 128 : i32
    %dma_start3A_30 = tpu.memref_slice %arg9[%dma_start3A_29] : memref<160xi32, #tpu.memory_space<vmem>> -> memref<32xi32, #tpu.memory_space<vmem>>
    %dma_start3A_31 = arith.constant 0 : i32
    %dma_start3A_32 = arith.constant 0 : i32
    %dma_start3A_33 = tpu.memref_slice %arg3[%dma_start3A_31, %dma_start3A_32] : memref<5000x128xf32, #tpu.memory_space<hbm>> -> memref<5000x128xf32, #tpu.memory_space<hbm>>
    tpu.enqueue_indirect_dma source(%dma_start3A_33 : memref<5000x128xf32, #tpu.memory_space<hbm>>) target(%dma_start3A_28 : memref<32x128xf32, #tpu.memory_space<vmem>>) offsets(%dma_start3A_30 : memref<32xi32, #tpu.memory_space<vmem>>) semaphore(%arg12 : memref<!tpu.dma_semaphore, #tpu.memory_space<semaphore_mem>>)
    %dma_wait3A = arith.constant 0 : i32
    %dma_wait3A_34 = arith.constant 0 : i32
    %dma_wait3A_35 = tpu.memref_slice %arg10[%dma_wait3A, %dma_wait3A_34] : memref<160x128xf32, #tpu.memory_space<vmem>> -> memref<128x128xf32, #tpu.memory_space<vmem>>
    %dma_wait3A_36 = arith.constant 0 : i32
    %dma_wait3A_37 = tpu.memref_slice %arg8[%dma_wait3A_36] : memref<160xi32, #tpu.memory_space<vmem>> -> memref<128xi32, #tpu.memory_space<vmem>>
    %dma_wait3A_38 = arith.constant 0 : i32
    %dma_wait3A_39 = arith.constant 0 : i32
    %dma_wait3A_40 = tpu.memref_slice %arg2[%dma_wait3A_38, %dma_wait3A_39] : memref<2000x128xf32, #tpu.memory_space<hbm>> -> memref<2000x128xf32, #tpu.memory_space<hbm>>
    tpu.wait_indirect_dma semaphore(%arg12 : memref<!tpu.dma_semaphore, #tpu.memory_space<semaphore_mem>>) src(%dma_wait3A_40 : memref<2000x128xf32, #tpu.memory_space<hbm>>) dst(%dma_wait3A_35 : memref<128x128xf32, #tpu.memory_space<vmem>>)
    %dma_wait3A_41 = arith.constant 0 : i32
    %dma_wait3A_42 = arith.constant 0 : i32
    %dma_wait3A_43 = tpu.memref_slice %arg11[%dma_wait3A_41, %dma_wait3A_42] : memref<160x128xf32, #tpu.memory_space<vmem>> -> memref<128x128xf32, #tpu.memory_space<vmem>>
    %dma_wait3A_44 = arith.constant 0 : i32
    %dma_wait3A_45 = tpu.memref_slice %arg9[%dma_wait3A_44] : memref<160xi32, #tpu.memory_space<vmem>> -> memref<128xi32, #tpu.memory_space<vmem>>
    %dma_wait3A_46 = arith.constant 0 : i32
    %dma_wait3A_47 = arith.constant 0 : i32
    %dma_wait3A_48 = tpu.memref_slice %arg3[%dma_wait3A_46, %dma_wait3A_47] : memref<5000x128xf32, #tpu.memory_space<hbm>> -> memref<5000x128xf32, #tpu.memory_space<hbm>>
    tpu.wait_indirect_dma semaphore(%arg12 : memref<!tpu.dma_semaphore, #tpu.memory_space<semaphore_mem>>) src(%dma_wait3A_48 : memref<5000x128xf32, #tpu.memory_space<hbm>>) dst(%dma_wait3A_43 : memref<128x128xf32, #tpu.memory_space<vmem>>)
    %dma_wait3A_49 = arith.constant 128 : i32
    %dma_wait3A_50 = arith.constant 0 : i32
    %dma_wait3A_51 = tpu.memref_slice %arg10[%dma_wait3A_49, %dma_wait3A_50] : memref<160x128xf32, #tpu.memory_space<vmem>> -> memref<32x128xf32, #tpu.memory_space<vmem>>
    %dma_wait3A_52 = arith.constant 128 : i32
    %dma_wait3A_53 = tpu.memref_slice %arg8[%dma_wait3A_52] : memref<160xi32, #tpu.memory_space<vmem>> -> memref<32xi32, #tpu.memory_space<vmem>>
    %dma_wait3A_54 = arith.constant 0 : i32
    %dma_wait3A_55 = arith.constant 0 : i32
    %dma_wait3A_56 = tpu.memref_slice %arg2[%dma_wait3A_54, %dma_wait3A_55] : memref<2000x128xf32, #tpu.memory_space<hbm>> -> memref<2000x128xf32, #tpu.memory_space<hbm>>
    tpu.wait_indirect_dma semaphore(%arg12 : memref<!tpu.dma_semaphore, #tpu.memory_space<semaphore_mem>>) src(%dma_wait3A_56 : memref<2000x128xf32, #tpu.memory_space<hbm>>) dst(%dma_wait3A_51 : memref<32x128xf32, #tpu.memory_space<vmem>>)
    %dma_wait3A_57 = arith.constant 128 : i32
    %dma_wait3A_58 = arith.constant 0 : i32
    %dma_wait3A_59 = tpu.memref_slice %arg11[%dma_wait3A_57, %dma_wait3A_58] : memref<160x128xf32, #tpu.memory_space<vmem>> -> memref<32x128xf32, #tpu.memory_space<vmem>>
    %dma_wait3A_60 = arith.constant 128 : i32
    %dma_wait3A_61 = tpu.memref_slice %arg9[%dma_wait3A_60] : memref<160xi32, #tpu.memory_space<vmem>> -> memref<32xi32, #tpu.memory_space<vmem>>
    %dma_wait3A_62 = arith.constant 0 : i32
    %dma_wait3A_63 = arith.constant 0 : i32
    %dma_wait3A_64 = tpu.memref_slice %arg3[%dma_wait3A_62, %dma_wait3A_63] : memref<5000x128xf32, #tpu.memory_space<hbm>> -> memref<5000x128xf32, #tpu.memory_space<hbm>>
    tpu.wait_indirect_dma semaphore(%arg12 : memref<!tpu.dma_semaphore, #tpu.memory_space<semaphore_mem>>) src(%dma_wait3A_64 : memref<5000x128xf32, #tpu.memory_space<hbm>>) dst(%dma_wait3A_59 : memref<32x128xf32, #tpu.memory_space<vmem>>)
    "tpu.region"() ({
      %run_scoped3A = tpu.sem_alloc : memref<!tpu.dma_semaphore, #tpu.memory_space<semaphore_mem>>
      %dma_start3A_65 = arith.constant 0 : i32
      %dma_start3A_66 = tpu.memref_slice %arg6[%mul3A_2, %dma_start3A_65] : memref<5120x128xf32, #tpu.memory_space<hbm>> -> memref<160x128xf32, #tpu.memory_space<hbm>>
      %dma_start3A_67 = arith.constant 0 : i32
      %dma_start3A_68 = tpu.memref_slice %arg6[%mul3A_2, %dma_start3A_67] : memref<5120x128xf32, #tpu.memory_space<hbm>> -> memref<160x128xf32, #tpu.memory_space<hbm>>
      tpu.enqueue_dma source(%arg10 : memref<160x128xf32, #tpu.memory_space<vmem>>) target(%dma_start3A_68 : memref<160x128xf32, #tpu.memory_space<hbm>>) target_semaphore(%run_scoped3A : memref<!tpu.dma_semaphore, #tpu.memory_space<semaphore_mem>>)
      %dma_wait3A_69 = arith.constant 0 : i32
      %dma_wait3A_70 = tpu.memref_slice %arg6[%mul3A_2, %dma_wait3A_69] : memref<5120x128xf32, #tpu.memory_space<hbm>> -> memref<160x128xf32, #tpu.memory_space<hbm>>
      %dma_wait3A_71 = arith.constant 0 : i32
      %dma_wait3A_72 = tpu.memref_slice %arg6[%mul3A_2, %dma_wait3A_71] : memref<5120x128xf32, #tpu.memory_space<hbm>> -> memref<160x128xf32, #tpu.memory_space<hbm>>
      tpu.wait_dma2 semaphore(%run_scoped3A : memref<!tpu.dma_semaphore, #tpu.memory_space<semaphore_mem>>) src(%arg10 : memref<160x128xf32, #tpu.memory_space<vmem>>) dst(%dma_wait3A_72 : memref<160x128xf32, #tpu.memory_space<hbm>>)
      tpu.yield
    }) : () -> ()
    "tpu.region"() ({
      %run_scoped3A = tpu.sem_alloc : memref<!tpu.dma_semaphore, #tpu.memory_space<semaphore_mem>>
      %dma_start3A_65 = arith.constant 0 : i32
      %dma_start3A_66 = tpu.memref_slice %arg7[%mul3A_2, %dma_start3A_65] : memref<5120x128xf32, #tpu.memory_space<hbm>> -> memref<160x128xf32, #tpu.memory_space<hbm>>
      %dma_start3A_67 = arith.constant 0 : i32
      %dma_start3A_68 = tpu.memref_slice %arg7[%mul3A_2, %dma_start3A_67] : memref<5120x128xf32, #tpu.memory_space<hbm>> -> memref<160x128xf32, #tpu.memory_space<hbm>>
      tpu.enqueue_dma source(%arg11 : memref<160x128xf32, #tpu.memory_space<vmem>>) target(%dma_start3A_68 : memref<160x128xf32, #tpu.memory_space<hbm>>) target_semaphore(%run_scoped3A : memref<!tpu.dma_semaphore, #tpu.memory_space<semaphore_mem>>)
      %dma_wait3A_69 = arith.constant 0 : i32
      %dma_wait3A_70 = tpu.memref_slice %arg7[%mul3A_2, %dma_wait3A_69] : memref<5120x128xf32, #tpu.memory_space<hbm>> -> memref<160x128xf32, #tpu.memory_space<hbm>>
      %dma_wait3A_71 = arith.constant 0 : i32
      %dma_wait3A_72 = tpu.memref_slice %arg7[%mul3A_2, %dma_wait3A_71] : memref<5120x128xf32, #tpu.memory_space<hbm>> -> memref<160x128xf32, #tpu.memory_space<hbm>>
      tpu.wait_dma2 semaphore(%run_scoped3A : memref<!tpu.dma_semaphore, #tpu.memory_space<semaphore_mem>>) src(%arg11 : memref<160x128xf32, #tpu.memory_space<vmem>>) dst(%dma_wait3A_72 : memref<160x128xf32, #tpu.memory_space<hbm>>)
      tpu.yield
    }) : () -> ()
    return
  }
}

module attributes {stable_mosaic.version = 14 : i64} {
  func.func @_prep_body(%arg0: memref<32x2000xf32, #tpu.memory_space<vmem>>, %arg1: memref<32x2000xf32, #tpu.memory_space<vmem>>, %arg2: memref<128x2000xf32, #tpu.memory_space<vmem>>) attributes {dimension_semantics = [], scalar_prefetch = 0 : i64, scratch_operands = 0 : i64, tpu.core_type = #tpu.core_type<tc>} {
    %get3A = arith.constant 0 : index
    %get3A_0 = arith.constant 0 : index
    %get3A_1 = vector.load %arg1[%get3A, %get3A_0] : memref<32x2000xf32, #tpu.memory_space<vmem>>, vector<32x2000xf32>
    %exp3A = math.exp %get3A_1 : vector<32x2000xf32>
    %min3A = arith.constant 2.000000e+01 : f32
    %min3A_2 = vector.broadcast %min3A : f32 to vector<32x2000xf32>
    %min3A_3 = arith.minimumf %exp3A, %min3A_2 : vector<32x2000xf32>
    %div3A = arith.constant 1.000000e+00 : f32
    %div3A_4 = vector.broadcast %div3A : f32 to vector<32x2000xf32>
    %div3A_5 = arith.divf %div3A_4, %min3A_3 : vector<32x2000xf32>
    %get3A_6 = arith.constant 0 : index
    %get3A_7 = arith.constant 0 : index
    %get3A_8 = vector.load %arg0[%get3A_6, %get3A_7] : memref<32x2000xf32, #tpu.memory_space<vmem>>, vector<32x2000xf32>
    %swap3A = arith.constant 0 : index
    %swap3A_9 = arith.constant 0 : index
    %swap3A_10 = vector.load %arg2[%swap3A, %swap3A_9] : memref<128x2000xf32, #tpu.memory_space<vmem>>, vector<32x2000xf32>
    tpu.vector_store %arg2[%swap3A, %swap3A_9], %get3A_8 {strides = array<i32>} : memref<128x2000xf32, #tpu.memory_space<vmem>>, vector<32x2000xf32>,
    %swap3A_11 = arith.constant 32 : index
    %swap3A_12 = arith.constant 0 : index
    %swap3A_13 = vector.load %arg2[%swap3A_11, %swap3A_12] : memref<128x2000xf32, #tpu.memory_space<vmem>>, vector<32x2000xf32>
    tpu.vector_store %arg2[%swap3A_11, %swap3A_12], %div3A_5 {strides = array<i32>} : memref<128x2000xf32, #tpu.memory_space<vmem>>, vector<32x2000xf32>,
    %add3A = arith.constant 9.99999993E-9 : f32
    %add3A_14 = vector.broadcast %add3A : f32 to vector<32x2000xf32>
    %add3A_15 = arith.addf %div3A_5, %add3A_14 : vector<32x2000xf32>
    %log3A = math.log %add3A_15 : vector<32x2000xf32>
    %swap3A_16 = arith.constant 64 : index
    %swap3A_17 = arith.constant 0 : index
    %swap3A_18 = vector.load %arg2[%swap3A_16, %swap3A_17] : memref<128x2000xf32, #tpu.memory_space<vmem>>, vector<32x2000xf32>
    tpu.vector_store %arg2[%swap3A_16, %swap3A_17], %log3A {strides = array<i32>} : memref<128x2000xf32, #tpu.memory_space<vmem>>, vector<32x2000xf32>,
    %mul3A = arith.mulf %div3A_5, %div3A_5 : vector<32x2000xf32>
    %mul3A_19 = arith.constant 3.000000e+00 : f32
    %mul3A_20 = vector.broadcast %mul3A_19 : f32 to vector<32x2000xf32>
    %mul3A_21 = arith.mulf %mul3A_20, %div3A_5 : vector<32x2000xf32>
    %add3A_22 = arith.addf %mul3A, %mul3A_21 : vector<32x2000xf32>
    %add3A_23 = arith.constant 2.000000e+00 : f32
    %add3A_24 = vector.broadcast %add3A_23 : f32 to vector<32x2000xf32>
    %add3A_25 = arith.addf %add3A_22, %add3A_24 : vector<32x2000xf32>
    %mul3A_26 = arith.mulf %add3A_22, %add3A_25 : vector<32x2000xf32>
    %lt3A = arith.constant 4.000000e+00 : f32
    %lt3A_27 = vector.broadcast %lt3A : f32 to vector<32x2000xf32>
    %lt3A_28 = arith.cmpf olt, %div3A_5, %lt3A_27 : vector<32x2000xf32>
    %add3A_29 = arith.constant 4.000000e+00 : f32
    %add3A_30 = vector.broadcast %add3A_29 : f32 to vector<32x2000xf32>
    %add3A_31 = arith.addf %div3A_5, %add3A_30 : vector<32x2000xf32>
    %select_n3A = arith.select %lt3A_28, %add3A_31, %div3A_5 : vector<32x2000xi1>, vector<32x2000xf32>
    %div3A_32 = arith.constant 1.000000e+00 : f32
    %div3A_33 = vector.broadcast %div3A_32 : f32 to vector<32x2000xf32>
    %div3A_34 = arith.divf %div3A_33, %select_n3A : vector<32x2000xf32>
    %mul3A_35 = arith.mulf %div3A_34, %div3A_34 : vector<32x2000xf32>
    %mul3A_36 = arith.constant 7.93650805E-4 : f32
    %mul3A_37 = vector.broadcast %mul3A_36 : f32 to vector<32x2000xf32>
    %mul3A_38 = arith.mulf %mul3A_35, %mul3A_37 : vector<32x2000xf32>
    %add3A_39 = arith.constant -0.00277777785 : f32
    %add3A_40 = vector.broadcast %add3A_39 : f32 to vector<32x2000xf32>
    %add3A_41 = arith.addf %add3A_40, %mul3A_38 : vector<32x2000xf32>
    %mul3A_42 = arith.mulf %mul3A_35, %add3A_41 : vector<32x2000xf32>
    %add3A_43 = arith.constant 0.0833333358 : f32
    %add3A_44 = vector.broadcast %add3A_43 : f32 to vector<32x2000xf32>
    %add3A_45 = arith.addf %add3A_44, %mul3A_42 : vector<32x2000xf32>
    %mul3A_46 = arith.mulf %div3A_34, %add3A_45 : vector<32x2000xf32>
    %sub3A = arith.constant 5.000000e-01 : f32
    %sub3A_47 = vector.broadcast %sub3A : f32 to vector<32x2000xf32>
    %sub3A_48 = arith.subf %select_n3A, %sub3A_47 : vector<32x2000xf32>
    %log3A_49 = math.log %select_n3A : vector<32x2000xf32>
    %mul3A_50 = arith.mulf %sub3A_48, %log3A_49 : vector<32x2000xf32>
    %sub3A_51 = arith.subf %mul3A_50, %select_n3A : vector<32x2000xf32>
    %add3A_52 = arith.constant 0.918938517 : f32
    %add3A_53 = vector.broadcast %add3A_52 : f32 to vector<32x2000xf32>
    %add3A_54 = arith.addf %sub3A_51, %add3A_53 : vector<32x2000xf32>
    %add3A_55 = arith.addf %add3A_54, %mul3A_46 : vector<32x2000xf32>
    %log3A_56 = math.log %mul3A_26 : vector<32x2000xf32>
    %sub3A_57 = arith.subf %add3A_55, %log3A_56 : vector<32x2000xf32>
    %select_n3A_58 = arith.select %lt3A_28, %sub3A_57, %add3A_55 : vector<32x2000xi1>, vector<32x2000xf32>
    %swap3A_59 = arith.constant 96 : index
    %swap3A_60 = arith.constant 0 : index
    %swap3A_61 = vector.load %arg2[%swap3A_59, %swap3A_60] : memref<128x2000xf32, #tpu.memory_space<vmem>>, vector<32x2000xf32>
    tpu.vector_store %arg2[%swap3A_59, %swap3A_60], %select_n3A_58 {strides = array<i32>} : memref<128x2000xf32, #tpu.memory_space<vmem>>, vector<32x2000xf32>,
    return
  }
}

module attributes {stable_mosaic.version = 14 : i64} {
  func.func @_main_body(%arg0: i32, %arg1: memref<1x1x512xi32, #tpu.memory_space<vmem>>, %arg2: memref<32x512xf32, #tpu.memory_space<vmem>>, %arg3: memref<512x128xf32, #tpu.memory_space<vmem>>, %arg4: memref<512x128xf32, #tpu.memory_space<vmem>>, %arg5: memref<2048x2000xbf16, #tpu.memory_space<vmem>>, %arg6: memref<64x32xf32, #tpu.memory_space<vmem>>, %arg7: memref<64x32x512xf32, #tpu.memory_space<vmem>>, %arg8: memref<64x32x512xf32, #tpu.memory_space<vmem>>) attributes {dimension_semantics = [#tpu.dimension_semantics<arbitrary>], iteration_bounds = array<i64: 10>, scalar_prefetch = 0 : i64, scratch_operands = 0 : i64, tpu.core_type = #tpu.core_type<tc>, window_params = [{transform_indices = @transform_0, window_bounds = array<i64: 1, 1, 512>}, {transform_indices = @transform_1, window_bounds = array<i64: 32, 512>}, {transform_indices = @transform_2, window_bounds = array<i64: 512, 128>}, {transform_indices = @transform_3, window_bounds = array<i64: 512, 128>}, {pipeline_mode = #tpu.pipeline_mode<synchronous>, transform_indices = @transform_4, window_bounds = array<i64: 2048, 2000>}, {pipeline_mode = #tpu.pipeline_mode<synchronous>, transform_indices = @transform_5, window_bounds = array<i64: 64, 32>}, {transform_indices = @transform_6, window_bounds = array<i64: 64, 32, 512>}, {transform_indices = @transform_7, window_bounds = array<i64: 64, 32, 512>}]} {
    %get3A = arith.constant 0 : index
    %get3A_0 = arith.constant 0 : index
    %get3A_1 = arith.constant 0 : index
    %get3A_2 = vector.load %arg1[%get3A, %get3A_0, %get3A_1] : memref<1x1x512xi32, #tpu.memory_space<vmem>>, vector<1x1x512xi32>
    %get3A_3 = vector.shape_cast %get3A_2 : vector<1x1x512xi32> to vector<1x512xi32>
    %iota3A = tpu.iota {dimensions = array<i32: 0>} : vector<2000x512xi32>
    %eq3A = vector.broadcast %get3A_3 : vector<1x512xi32> to vector<2000x512xi32>
    %eq3A_4 = arith.cmpi eq, %iota3A, %eq3A : vector<2000x512xi32>
    %convert_element_type3A = arith.extui %eq3A_4 : vector<2000x512xi1> to vector<2000x512xi32>
    %convert_element_type3A_5 = arith.sitofp %convert_element_type3A : vector<2000x512xi32> to vector<2000x512xf32>
    %convert_element_type3A_6 = arith.truncf %convert_element_type3A_5 : vector<2000x512xf32> to vector<2000x512xbf16>
    %iota3A_7 = tpu.iota {dimensions = array<i32: 0>} : vector<512x512xi32>
    %iota3A_8 = tpu.iota {dimensions = array<i32: 1>} : vector<512x512xi32>
    %eq3A_9 = arith.cmpi eq, %iota3A_7, %iota3A_8 : vector<512x512xi32>
    %convert_element_type3A_10 = arith.extui %eq3A_9 : vector<512x512xi1> to vector<512x512xi32>
    %convert_element_type3A_11 = arith.sitofp %convert_element_type3A_10 : vector<512x512xi32> to vector<512x512xf32>
    %get3A_12 = arith.constant 0 : index
    %get3A_13 = arith.constant 0 : index
    %get3A_14 = vector.load %arg3[%get3A_12, %get3A_13] : memref<512x128xf32, #tpu.memory_space<vmem>>, vector<512x128xf32>
    %dot_general3A = arith.constant dense<0.000000e+00> : vector<128x512xf32>
    %dot_general3A_15 = tpu.matmul %get3A_14, %convert_element_type3A_11, %dot_general3A {dimension_numbers = #tpu.dot_dimension_numbers<[0], [0], [1], [1], [0, 1, 1, 1], [], []>, precision = #tpu.contract_precision<fp32>, transpose_lhs_hint = false} : vector<512x128xf32>, vector<512x512xf32>, vector<128x512xf32> -> vector<128x512xf32>
    %get3A_16 = arith.constant 0 : index
    %get3A_17 = arith.constant 0 : index
    %get3A_18 = vector.load %arg4[%get3A_16, %get3A_17] : memref<512x128xf32, #tpu.memory_space<vmem>>, vector<512x64xf32>
    %dot_general3A_19 = arith.constant dense<0.000000e+00> : vector<64x512xf32>
    %dot_general3A_20 = tpu.matmul %get3A_18, %convert_element_type3A_11, %dot_general3A_19 {dimension_numbers = #tpu.dot_dimension_numbers<[0], [0], [1], [1], [0, 1, 1, 1], [], []>, precision = #tpu.contract_precision<fp32>, transpose_lhs_hint = false} : vector<512x64xf32>, vector<512x512xf32>, vector<64x512xf32> -> vector<64x512xf32>
    %get3A_21 = arith.constant 0 : index
    %get3A_22 = arith.constant 0 : index
    %get3A_23 = vector.load %arg5[%get3A_21, %get3A_22] : memref<2048x2000xbf16, #tpu.memory_space<vmem>>, vector<2048x2000xbf16>
    %dot_general3A_24 = arith.constant dense<0.000000e+00> : vector<2048x512xf32>
    %dot_general3A_25 = tpu.matmul %get3A_23, %convert_element_type3A_6, %dot_general3A_24 {dimension_numbers = #tpu.dot_dimension_numbers<[1], [0], [0], [1], [0, 0, 1, 1], [], []>, transpose_lhs_hint = false} : vector<2048x2000xbf16>, vector<2000x512xbf16>, vector<2048x512xf32> -> vector<2048x512xf32>
    %reshape3A = vector.shape_cast %dot_general3A_25 : vector<2048x512xf32> to vector<64x32x512xf32>
    %slice3A = vector.extract_strided_slice %dot_general3A_15 {offsets = [0, 0], sizes = [32, 512], strides = [1, 1]} : vector<128x512xf32> to vector<32x512xf32>
    %slice3A_26 = vector.extract_strided_slice %dot_general3A_15 {offsets = [32, 0], sizes = [32, 512], strides = [1, 1]} : vector<128x512xf32> to vector<32x512xf32>
    %slice3A_27 = vector.extract_strided_slice %dot_general3A_15 {offsets = [64, 0], sizes = [32, 512], strides = [1, 1]} : vector<128x512xf32> to vector<32x512xf32>
    %slice3A_28 = vector.extract_strided_slice %dot_general3A_15 {offsets = [96, 0], sizes = [32, 512], strides = [1, 1]} : vector<128x512xf32> to vector<32x512xf32>
    %broadcast_in_dim3A = vector.shape_cast %slice3A : vector<32x512xf32> to vector<1x32x512xf32>
    %broadcast_in_dim3A_29 = vector.shape_cast %dot_general3A_20 : vector<64x512xf32> to vector<64x1x512xf32>
    %get3A_30 = arith.constant 0 : index
    %get3A_31 = arith.constant 0 : index
    %get3A_32 = vector.load %arg2[%get3A_30, %get3A_31] : memref<32x512xf32, #tpu.memory_space<vmem>>, vector<32x512xf32>
    %broadcast_in_dim3A_33 = vector.shape_cast %get3A_32 : vector<32x512xf32> to vector<1x32x512xf32>
    %mul3A = vector.broadcast %broadcast_in_dim3A_29 : vector<64x1x512xf32> to vector<64x32x512xf32>
    %mul3A_34 = vector.broadcast %broadcast_in_dim3A_33 : vector<1x32x512xf32> to vector<64x32x512xf32>
    %mul3A_35 = arith.mulf %mul3A, %mul3A_34 : vector<64x32x512xf32>
    %add3A = vector.broadcast %broadcast_in_dim3A : vector<1x32x512xf32> to vector<64x32x512xf32>
    %add3A_36 = arith.addf %add3A, %mul3A_35 : vector<64x32x512xf32>
    %exp3A = math.exp %add3A_36 : vector<64x32x512xf32>
    %get3A_37 = arith.constant 0 : index
    %get3A_38 = arith.constant 0 : index
    %get3A_39 = vector.load %arg6[%get3A_37, %get3A_38] : memref<64x32xf32, #tpu.memory_space<vmem>>, vector<64x32xf32>
    %broadcast_in_dim3A_40 = vector.shape_cast %get3A_39 : vector<64x32xf32> to vector<64x32x1xf32>
    %mul3A_41 = vector.broadcast %broadcast_in_dim3A_40 : vector<64x32x1xf32> to vector<64x32x512xf32>
    %mul3A_42 = arith.mulf %exp3A, %mul3A_41 : vector<64x32x512xf32>
    %swap3A = arith.constant 0 : index
    %swap3A_43 = arith.constant 0 : index
    %swap3A_44 = arith.constant 0 : index
    %swap3A_45 = vector.load %arg7[%swap3A, %swap3A_43, %swap3A_44] : memref<64x32x512xf32, #tpu.memory_space<vmem>>, vector<64x32x512xf32>
    tpu.vector_store %arg7[%swap3A, %swap3A_43, %swap3A_44], %mul3A_42 {strides = array<i32>} : memref<64x32x512xf32, #tpu.memory_space<vmem>>, vector<64x32x512xf32>,
    %add3A_46 = arith.constant 9.99999993E-9 : f32
    %add3A_47 = vector.broadcast %add3A_46 : f32 to vector<64x32x512xf32>
    %add3A_48 = arith.addf %mul3A_42, %add3A_47 : vector<64x32x512xf32>
    %log3A = math.log %add3A_48 : vector<64x32x512xf32>
    %broadcast_in_dim3A_49 = vector.shape_cast %slice3A_27 : vector<32x512xf32> to vector<1x32x512xf32>
    %sub3A = vector.broadcast %broadcast_in_dim3A_49 : vector<1x32x512xf32> to vector<64x32x512xf32>
    %sub3A_50 = arith.subf %log3A, %sub3A : vector<64x32x512xf32>
    %exp3A_51 = math.exp %sub3A_50 : vector<64x32x512xf32>
    %add3A_52 = arith.constant 1.000000e+00 : f32
    %add3A_53 = vector.broadcast %add3A_52 : f32 to vector<64x32x512xf32>
    %add3A_54 = arith.addf %add3A_53, %exp3A_51 : vector<64x32x512xf32>
    %log3A_55 = math.log %add3A_54 : vector<64x32x512xf32>
    %broadcast_in_dim3A_56 = vector.shape_cast %slice3A_26 : vector<32x512xf32> to vector<1x32x512xf32>
    %add3A_57 = vector.broadcast %broadcast_in_dim3A_56 : vector<1x32x512xf32> to vector<64x32x512xf32>
    %add3A_58 = arith.addf %add3A_57, %reshape3A : vector<64x32x512xf32>
    %mul3A_59 = arith.mulf %add3A_58, %log3A_55 : vector<64x32x512xf32>
    %mul3A_60 = arith.mulf %reshape3A, %sub3A_50 : vector<64x32x512xf32>
    %sub3A_61 = arith.subf %mul3A_59, %mul3A_60 : vector<64x32x512xf32>
    %add3A_62 = arith.constant 1.000000e+00 : f32
    %add3A_63 = vector.broadcast %add3A_62 : f32 to vector<64x32x512xf32>
    %add3A_64 = arith.addf %add3A_63, %reshape3A : vector<64x32x512xf32>
    %mul3A_65 = arith.mulf %add3A_58, %add3A_58 : vector<64x32x512xf32>
    %mul3A_66 = arith.constant 3.000000e+00 : f32
    %mul3A_67 = vector.broadcast %mul3A_66 : f32 to vector<64x32x512xf32>
    %mul3A_68 = arith.mulf %mul3A_67, %add3A_58 : vector<64x32x512xf32>
    %add3A_69 = arith.addf %mul3A_65, %mul3A_68 : vector<64x32x512xf32>
    %add3A_70 = arith.constant 2.000000e+00 : f32
    %add3A_71 = vector.broadcast %add3A_70 : f32 to vector<64x32x512xf32>
    %add3A_72 = arith.addf %add3A_69, %add3A_71 : vector<64x32x512xf32>
    %mul3A_73 = arith.mulf %add3A_69, %add3A_72 : vector<64x32x512xf32>
    %mul3A_74 = arith.mulf %add3A_64, %add3A_64 : vector<64x32x512xf32>
    %mul3A_75 = arith.constant 3.000000e+00 : f32
    %mul3A_76 = vector.broadcast %mul3A_75 : f32 to vector<64x32x512xf32>
    %mul3A_77 = arith.mulf %mul3A_76, %add3A_64 : vector<64x32x512xf32>
    %add3A_78 = arith.addf %mul3A_74, %mul3A_77 : vector<64x32x512xf32>
    %add3A_79 = arith.constant 2.000000e+00 : f32
    %add3A_80 = vector.broadcast %add3A_79 : f32 to vector<64x32x512xf32>
    %add3A_81 = arith.addf %add3A_78, %add3A_80 : vector<64x32x512xf32>
    %mul3A_82 = arith.mulf %add3A_78, %add3A_81 : vector<64x32x512xf32>
    %add3A_83 = arith.constant 4.000000e+00 : f32
    %add3A_84 = vector.broadcast %add3A_83 : f32 to vector<64x32x512xf32>
    %add3A_85 = arith.addf %add3A_64, %add3A_84 : vector<64x32x512xf32>
    %div3A = arith.constant 1.000000e+00 : f32
    %div3A_86 = vector.broadcast %div3A : f32 to vector<64x32x512xf32>
    %div3A_87 = arith.divf %div3A_86, %add3A_85 : vector<64x32x512xf32>
    %mul3A_88 = arith.mulf %div3A_87, %div3A_87 : vector<64x32x512xf32>
    %mul3A_89 = arith.constant 7.93650805E-4 : f32
    %mul3A_90 = vector.broadcast %mul3A_89 : f32 to vector<64x32x512xf32>
    %mul3A_91 = arith.mulf %mul3A_88, %mul3A_90 : vector<64x32x512xf32>
    %add3A_92 = arith.constant -0.00277777785 : f32
    %add3A_93 = vector.broadcast %add3A_92 : f32 to vector<64x32x512xf32>
    %add3A_94 = arith.addf %add3A_93, %mul3A_91 : vector<64x32x512xf32>
    %mul3A_95 = arith.mulf %mul3A_88, %add3A_94 : vector<64x32x512xf32>
    %add3A_96 = arith.constant 0.0833333358 : f32
    %add3A_97 = vector.broadcast %add3A_96 : f32 to vector<64x32x512xf32>
    %add3A_98 = arith.addf %add3A_97, %mul3A_95 : vector<64x32x512xf32>
    %mul3A_99 = arith.mulf %div3A_87, %add3A_98 : vector<64x32x512xf32>
    %sub3A_100 = arith.constant 5.000000e-01 : f32
    %sub3A_101 = vector.broadcast %sub3A_100 : f32 to vector<64x32x512xf32>
    %sub3A_102 = arith.subf %add3A_85, %sub3A_101 : vector<64x32x512xf32>
    %log3A_103 = math.log %add3A_85 : vector<64x32x512xf32>
    %mul3A_104 = arith.mulf %sub3A_102, %log3A_103 : vector<64x32x512xf32>
    %sub3A_105 = arith.subf %mul3A_104, %add3A_85 : vector<64x32x512xf32>
    %add3A_106 = arith.addf %sub3A_105, %mul3A_99 : vector<64x32x512xf32>
    %add3A_107 = arith.constant 4.000000e+00 : f32
    %add3A_108 = vector.broadcast %add3A_107 : f32 to vector<64x32x512xf32>
    %add3A_109 = arith.addf %add3A_58, %add3A_108 : vector<64x32x512xf32>
    %div3A_110 = arith.constant 1.000000e+00 : f32
    %div3A_111 = vector.broadcast %div3A_110 : f32 to vector<64x32x512xf32>
    %div3A_112 = arith.divf %div3A_111, %add3A_109 : vector<64x32x512xf32>
    %mul3A_113 = arith.mulf %div3A_112, %div3A_112 : vector<64x32x512xf32>
    %mul3A_114 = arith.constant 7.93650805E-4 : f32
    %mul3A_115 = vector.broadcast %mul3A_114 : f32 to vector<64x32x512xf32>
    %mul3A_116 = arith.mulf %mul3A_113, %mul3A_115 : vector<64x32x512xf32>
    %add3A_117 = arith.constant -0.00277777785 : f32
    %add3A_118 = vector.broadcast %add3A_117 : f32 to vector<64x32x512xf32>
    %add3A_119 = arith.addf %add3A_118, %mul3A_116 : vector<64x32x512xf32>
    %mul3A_120 = arith.mulf %mul3A_113, %add3A_119 : vector<64x32x512xf32>
    %add3A_121 = arith.constant 0.0833333358 : f32
    %add3A_122 = vector.broadcast %add3A_121 : f32 to vector<64x32x512xf32>
    %add3A_123 = arith.addf %add3A_122, %mul3A_120 : vector<64x32x512xf32>
    %mul3A_124 = arith.mulf %div3A_112, %add3A_123 : vector<64x32x512xf32>
    %sub3A_125 = arith.constant 5.000000e-01 : f32
    %sub3A_126 = vector.broadcast %sub3A_125 : f32 to vector<64x32x512xf32>
    %sub3A_127 = arith.subf %add3A_109, %sub3A_126 : vector<64x32x512xf32>
    %log3A_128 = math.log %add3A_109 : vector<64x32x512xf32>
    %mul3A_129 = arith.mulf %sub3A_127, %log3A_128 : vector<64x32x512xf32>
    %sub3A_130 = arith.subf %mul3A_129, %add3A_109 : vector<64x32x512xf32>
    %add3A_131 = arith.addf %sub3A_130, %mul3A_124 : vector<64x32x512xf32>
    %sub3A_132 = arith.subf %add3A_106, %add3A_131 : vector<64x32x512xf32>
    %div3A_133 = arith.divf %mul3A_73, %mul3A_82 : vector<64x32x512xf32>
    %log3A_134 = math.log %div3A_133 : vector<64x32x512xf32>
    %add3A_135 = arith.addf %sub3A_132, %log3A_134 : vector<64x32x512xf32>
    %add3A_136 = arith.addf %sub3A_61, %add3A_135 : vector<64x32x512xf32>
    %broadcast_in_dim3A_137 = vector.shape_cast %slice3A_28 : vector<32x512xf32> to vector<1x32x512xf32>
    %add3A_138 = vector.broadcast %broadcast_in_dim3A_137 : vector<1x32x512xf32> to vector<64x32x512xf32>
    %add3A_139 = arith.addf %add3A_136, %add3A_138 : vector<64x32x512xf32>
    %swap3A_140 = arith.constant 0 : index
    %swap3A_141 = arith.constant 0 : index
    %swap3A_142 = arith.constant 0 : index
    %swap3A_143 = vector.load %arg8[%swap3A_140, %swap3A_141, %swap3A_142] : memref<64x32x512xf32, #tpu.memory_space<vmem>>, vector<64x32x512xf32>
    tpu.vector_store %arg8[%swap3A_140, %swap3A_141, %swap3A_142], %add3A_139 {strides = array<i32>} : memref<64x32x512xf32, #tpu.memory_space<vmem>>, vector<64x32x512xf32>,
    return
  }
  func.func @transform_0(%arg0: i32) -> (i32, i32, i32) {
    %add3A = arith.constant 0 : i32
    %add3A_0 = arith.addi %arg0, %add3A : i32
    %c0_i32 = arith.constant 0 : i32
    %c0_i32_1 = arith.constant 0 : i32
    %c0_i32_2 = arith.constant 0 : i32
    return %add3A_0, %c0_i32, %c0_i32_1 : i32, i32, i32
  }
  func.func @transform_1(%arg0: i32) -> (i32, i32) {
    %add3A = arith.constant 0 : i32
    %add3A_0 = arith.addi %arg0, %add3A : i32
    %c0_i32 = arith.constant 0 : i32
    %c0_i32_1 = arith.constant 0 : i32
    return %c0_i32, %add3A_0 : i32, i32
  }
  func.func @transform_2(%arg0: i32) -> (i32, i32) {
    %c0_i32 = arith.constant 0 : i32
    %c0_i32_0 = arith.constant 0 : i32
    return %arg0, %c0_i32 : i32, i32
  }
  func.func @transform_3(%arg0: i32) -> (i32, i32) {
    %c0_i32 = arith.constant 0 : i32
    %c0_i32_0 = arith.constant 0 : i32
    return %arg0, %c0_i32 : i32, i32
  }
  func.func @transform_4(%arg0: i32) -> (i32, i32) {
    %c0_i32 = arith.constant 0 : i32
    %c0_i32_0 = arith.constant 0 : i32
    %c0_i32_1 = arith.constant 0 : i32
    return %c0_i32, %c0_i32_0 : i32, i32
  }
  func.func @transform_5(%arg0: i32) -> (i32, i32) {
    %c0_i32 = arith.constant 0 : i32
    %c0_i32_0 = arith.constant 0 : i32
    %c0_i32_1 = arith.constant 0 : i32
    return %c0_i32, %c0_i32_0 : i32, i32
  }
  func.func @transform_6(%arg0: i32) -> (i32, i32, i32) {
    %add3A = arith.constant 0 : i32
    %add3A_0 = arith.addi %arg0, %add3A : i32
    %c0_i32 = arith.constant 0 : i32
    %c0_i32_1 = arith.constant 0 : i32
    %c0_i32_2 = arith.constant 0 : i32
    return %c0_i32, %c0_i32_1, %add3A_0 : i32, i32, i32
  }
  func.func @transform_7(%arg0: i32) -> (i32, i32, i32) {
    %add3A = arith.constant 0 : i32
    %add3A_0 = arith.addi %arg0, %add3A : i32
    %c0_i32 = arith.constant 0 : i32
    %c0_i32_1 = arith.constant 0 : i32
    %c0_i32_2 = arith.constant 0 : i32
    return %c0_i32, %c0_i32_1, %add3A_0 : i32, i32, i32
  }
}

module attributes {stable_mosaic.version = 14 : i64} {
  func.func @_main_body(%arg0: i32, %arg1: memref<1x1x512xi32, #tpu.memory_space<vmem>>, %arg2: memref<32x512xf32, #tpu.memory_space<vmem>>, %arg3: memref<512x128xf32, #tpu.memory_space<vmem>>, %arg4: memref<512x128xf32, #tpu.memory_space<vmem>>, %arg5: memref<2048x2000xbf16, #tpu.memory_space<vmem>>, %arg6: memref<64x32xf32, #tpu.memory_space<vmem>>, %arg7: memref<64x32x10000xf32, #tpu.memory_space<any>>, %arg8: memref<64x32x10000xf32, #tpu.memory_space<any>>, %arg9: memref<64x32x512xf32, #tpu.memory_space<vmem>>, %arg10: memref<64x32x512xf32, #tpu.memory_space<vmem>>) attributes {dimension_semantics = [#tpu.dimension_semantics<arbitrary>], iteration_bounds = array<i64: 10>, scalar_prefetch = 0 : i64, scratch_operands = 0 : i64, tpu.core_type = #tpu.core_type<tc>, window_params = [{transform_indices = @transform_0, window_bounds = array<i64: 1, 1, 512>}, {transform_indices = @transform_1, window_bounds = array<i64: 32, 512>}, {transform_indices = @transform_2, window_bounds = array<i64: 512, 128>}, {transform_indices = @transform_3, window_bounds = array<i64: 512, 128>}, {pipeline_mode = #tpu.pipeline_mode<synchronous>, transform_indices = @transform_4, window_bounds = array<i64: 2048, 2000>}, {pipeline_mode = #tpu.pipeline_mode<synchronous>, transform_indices = @transform_5, window_bounds = array<i64: 64, 32>}, {}, {}, {transform_indices = @transform_8, window_bounds = array<i64: 64, 32, 512>}, {transform_indices = @transform_9, window_bounds = array<i64: 64, 32, 512>}]} {
    %get3A = arith.constant 0 : index
    %get3A_0 = arith.constant 0 : index
    %get3A_1 = arith.constant 0 : index
    %get3A_2 = vector.load %arg1[%get3A, %get3A_0, %get3A_1] : memref<1x1x512xi32, #tpu.memory_space<vmem>>, vector<1x1x512xi32>
    %get3A_3 = vector.shape_cast %get3A_2 : vector<1x1x512xi32> to vector<1x512xi32>
    %iota3A = tpu.iota {dimensions = array<i32: 0>} : vector<2000x512xi32>
    %eq3A = vector.broadcast %get3A_3 : vector<1x512xi32> to vector<2000x512xi32>
    %eq3A_4 = arith.cmpi eq, %iota3A, %eq3A : vector<2000x512xi32>
    %convert_element_type3A = arith.extui %eq3A_4 : vector<2000x512xi1> to vector<2000x512xi32>
    %convert_element_type3A_5 = arith.sitofp %convert_element_type3A : vector<2000x512xi32> to vector<2000x512xf32>
    %convert_element_type3A_6 = arith.truncf %convert_element_type3A_5 : vector<2000x512xf32> to vector<2000x512xbf16>
    %iota3A_7 = tpu.iota {dimensions = array<i32: 0>} : vector<512x512xi32>
    %iota3A_8 = tpu.iota {dimensions = array<i32: 1>} : vector<512x512xi32>
    %eq3A_9 = arith.cmpi eq, %iota3A_7, %iota3A_8 : vector<512x512xi32>
    %convert_element_type3A_10 = arith.extui %eq3A_9 : vector<512x512xi1> to vector<512x512xi32>
    %convert_element_type3A_11 = arith.sitofp %convert_element_type3A_10 : vector<512x512xi32> to vector<512x512xf32>
    %get3A_12 = arith.constant 0 : index
    %get3A_13 = arith.constant 0 : index
    %get3A_14 = vector.load %arg3[%get3A_12, %get3A_13] : memref<512x128xf32, #tpu.memory_space<vmem>>, vector<512x128xf32>
    %dot_general3A = arith.constant dense<0.000000e+00> : vector<128x512xf32>
    %dot_general3A_15 = tpu.matmul %get3A_14, %convert_element_type3A_11, %dot_general3A {dimension_numbers = #tpu.dot_dimension_numbers<[0], [0], [1], [1], [0, 1, 1, 1], [], []>, precision = #tpu.contract_precision<fp32>, transpose_lhs_hint = false} : vector<512x128xf32>, vector<512x512xf32>, vector<128x512xf32> -> vector<128x512xf32>
    %get3A_16 = arith.constant 0 : index
    %get3A_17 = arith.constant 0 : index
    %get3A_18 = vector.load %arg4[%get3A_16, %get3A_17] : memref<512x128xf32, #tpu.memory_space<vmem>>, vector<512x64xf32>
    %dot_general3A_19 = arith.constant dense<0.000000e+00> : vector<64x512xf32>
    %dot_general3A_20 = tpu.matmul %get3A_18, %convert_element_type3A_11, %dot_general3A_19 {dimension_numbers = #tpu.dot_dimension_numbers<[0], [0], [1], [1], [0, 1, 1, 1], [], []>, precision = #tpu.contract_precision<fp32>, transpose_lhs_hint = false} : vector<512x64xf32>, vector<512x512xf32>, vector<64x512xf32> -> vector<64x512xf32>
    %get3A_21 = arith.constant 0 : index
    %get3A_22 = arith.constant 0 : index
    %get3A_23 = vector.load %arg5[%get3A_21, %get3A_22] : memref<2048x2000xbf16, #tpu.memory_space<vmem>>, vector<2048x2000xbf16>
    %dot_general3A_24 = arith.constant dense<0.000000e+00> : vector<2048x512xf32>
    %dot_general3A_25 = tpu.matmul %get3A_23, %convert_element_type3A_6, %dot_general3A_24 {dimension_numbers = #tpu.dot_dimension_numbers<[1], [0], [0], [1], [0, 0, 1, 1], [], []>, transpose_lhs_hint = false} : vector<2048x2000xbf16>, vector<2000x512xbf16>, vector<2048x512xf32> -> vector<2048x512xf32>
    %reshape3A = vector.shape_cast %dot_general3A_25 : vector<2048x512xf32> to vector<64x32x512xf32>
    %slice3A = vector.extract_strided_slice %dot_general3A_15 {offsets = [0, 0], sizes = [32, 512], strides = [1, 1]} : vector<128x512xf32> to vector<32x512xf32>
    %slice3A_26 = vector.extract_strided_slice %dot_general3A_15 {offsets = [32, 0], sizes = [32, 512], strides = [1, 1]} : vector<128x512xf32> to vector<32x512xf32>
    %slice3A_27 = vector.extract_strided_slice %dot_general3A_15 {offsets = [64, 0], sizes = [32, 512], strides = [1, 1]} : vector<128x512xf32> to vector<32x512xf32>
    %slice3A_28 = vector.extract_strided_slice %dot_general3A_15 {offsets = [96, 0], sizes = [32, 512], strides = [1, 1]} : vector<128x512xf32> to vector<32x512xf32>
    %broadcast_in_dim3A = vector.shape_cast %slice3A : vector<32x512xf32> to vector<1x32x512xf32>
    %broadcast_in_dim3A_29 = vector.shape_cast %dot_general3A_20 : vector<64x512xf32> to vector<64x1x512xf32>
    %get3A_30 = arith.constant 0 : index
    %get3A_31 = arith.constant 0 : index
    %get3A_32 = vector.load %arg2[%get3A_30, %get3A_31] : memref<32x512xf32, #tpu.memory_space<vmem>>, vector<32x512xf32>
    %broadcast_in_dim3A_33 = vector.shape_cast %get3A_32 : vector<32x512xf32> to vector<1x32x512xf32>
    %mul3A = vector.broadcast %broadcast_in_dim3A_29 : vector<64x1x512xf32> to vector<64x32x512xf32>
    %mul3A_34 = vector.broadcast %broadcast_in_dim3A_33 : vector<1x32x512xf32> to vector<64x32x512xf32>
    %mul3A_35 = arith.mulf %mul3A, %mul3A_34 : vector<64x32x512xf32>
    %add3A = vector.broadcast %broadcast_in_dim3A : vector<1x32x512xf32> to vector<64x32x512xf32>
    %add3A_36 = arith.addf %add3A, %mul3A_35 : vector<64x32x512xf32>
    %exp3A = math.exp %add3A_36 : vector<64x32x512xf32>
    %get3A_37 = arith.constant 0 : index
    %get3A_38 = arith.constant 0 : index
    %get3A_39 = vector.load %arg6[%get3A_37, %get3A_38] : memref<64x32xf32, #tpu.memory_space<vmem>>, vector<64x32xf32>
    %broadcast_in_dim3A_40 = vector.shape_cast %get3A_39 : vector<64x32xf32> to vector<64x32x1xf32>
    %mul3A_41 = vector.broadcast %broadcast_in_dim3A_40 : vector<64x32x1xf32> to vector<64x32x512xf32>
    %mul3A_42 = arith.mulf %exp3A, %mul3A_41 : vector<64x32x512xf32>
    %swap3A = arith.constant 0 : index
    %swap3A_43 = arith.constant 0 : index
    %swap3A_44 = arith.constant 0 : index
    %swap3A_45 = vector.load %arg9[%swap3A, %swap3A_43, %swap3A_44] : memref<64x32x512xf32, #tpu.memory_space<vmem>>, vector<64x32x512xf32>
    tpu.vector_store %arg9[%swap3A, %swap3A_43, %swap3A_44], %mul3A_42 {strides = array<i32>} : memref<64x32x512xf32, #tpu.memory_space<vmem>>, vector<64x32x512xf32>,
    %add3A_46 = arith.constant 9.99999993E-9 : f32
    %add3A_47 = vector.broadcast %add3A_46 : f32 to vector<64x32x512xf32>
    %add3A_48 = arith.addf %mul3A_42, %add3A_47 : vector<64x32x512xf32>
    %log3A = math.log %add3A_48 : vector<64x32x512xf32>
    %broadcast_in_dim3A_49 = vector.shape_cast %slice3A_27 : vector<32x512xf32> to vector<1x32x512xf32>
    %sub3A = vector.broadcast %broadcast_in_dim3A_49 : vector<1x32x512xf32> to vector<64x32x512xf32>
    %sub3A_50 = arith.subf %log3A, %sub3A : vector<64x32x512xf32>
    %exp3A_51 = math.exp %sub3A_50 : vector<64x32x512xf32>
    %add3A_52 = arith.constant 1.000000e+00 : f32
    %add3A_53 = vector.broadcast %add3A_52 : f32 to vector<64x32x512xf32>
    %add3A_54 = arith.addf %add3A_53, %exp3A_51 : vector<64x32x512xf32>
    %log3A_55 = math.log %add3A_54 : vector<64x32x512xf32>
    %broadcast_in_dim3A_56 = vector.shape_cast %slice3A_26 : vector<32x512xf32> to vector<1x32x512xf32>
    %add3A_57 = vector.broadcast %broadcast_in_dim3A_56 : vector<1x32x512xf32> to vector<64x32x512xf32>
    %add3A_58 = arith.addf %add3A_57, %reshape3A : vector<64x32x512xf32>
    %mul3A_59 = arith.mulf %add3A_58, %log3A_55 : vector<64x32x512xf32>
    %mul3A_60 = arith.mulf %reshape3A, %sub3A_50 : vector<64x32x512xf32>
    %sub3A_61 = arith.subf %mul3A_59, %mul3A_60 : vector<64x32x512xf32>
    %add3A_62 = arith.constant 1.000000e+00 : f32
    %add3A_63 = vector.broadcast %add3A_62 : f32 to vector<64x32x512xf32>
    %add3A_64 = arith.addf %add3A_63, %reshape3A : vector<64x32x512xf32>
    %mul3A_65 = arith.mulf %add3A_58, %add3A_58 : vector<64x32x512xf32>
    %mul3A_66 = arith.constant 3.000000e+00 : f32
    %mul3A_67 = vector.broadcast %mul3A_66 : f32 to vector<64x32x512xf32>
    %mul3A_68 = arith.mulf %mul3A_67, %add3A_58 : vector<64x32x512xf32>
    %add3A_69 = arith.addf %mul3A_65, %mul3A_68 : vector<64x32x512xf32>
    %add3A_70 = arith.constant 2.000000e+00 : f32
    %add3A_71 = vector.broadcast %add3A_70 : f32 to vector<64x32x512xf32>
    %add3A_72 = arith.addf %add3A_69, %add3A_71 : vector<64x32x512xf32>
    %mul3A_73 = arith.mulf %add3A_69, %add3A_72 : vector<64x32x512xf32>
    %mul3A_74 = arith.mulf %add3A_64, %add3A_64 : vector<64x32x512xf32>
    %mul3A_75 = arith.constant 3.000000e+00 : f32
    %mul3A_76 = vector.broadcast %mul3A_75 : f32 to vector<64x32x512xf32>
    %mul3A_77 = arith.mulf %mul3A_76, %add3A_64 : vector<64x32x512xf32>
    %add3A_78 = arith.addf %mul3A_74, %mul3A_77 : vector<64x32x512xf32>
    %add3A_79 = arith.constant 2.000000e+00 : f32
    %add3A_80 = vector.broadcast %add3A_79 : f32 to vector<64x32x512xf32>
    %add3A_81 = arith.addf %add3A_78, %add3A_80 : vector<64x32x512xf32>
    %mul3A_82 = arith.mulf %add3A_78, %add3A_81 : vector<64x32x512xf32>
    %add3A_83 = arith.constant 4.000000e+00 : f32
    %add3A_84 = vector.broadcast %add3A_83 : f32 to vector<64x32x512xf32>
    %add3A_85 = arith.addf %add3A_64, %add3A_84 : vector<64x32x512xf32>
    %div3A = arith.constant 1.000000e+00 : f32
    %div3A_86 = vector.broadcast %div3A : f32 to vector<64x32x512xf32>
    %div3A_87 = arith.divf %div3A_86, %add3A_85 : vector<64x32x512xf32>
    %mul3A_88 = arith.mulf %div3A_87, %div3A_87 : vector<64x32x512xf32>
    %mul3A_89 = arith.constant 7.93650805E-4 : f32
    %mul3A_90 = vector.broadcast %mul3A_89 : f32 to vector<64x32x512xf32>
    %mul3A_91 = arith.mulf %mul3A_88, %mul3A_90 : vector<64x32x512xf32>
    %add3A_92 = arith.constant -0.00277777785 : f32
    %add3A_93 = vector.broadcast %add3A_92 : f32 to vector<64x32x512xf32>
    %add3A_94 = arith.addf %add3A_93, %mul3A_91 : vector<64x32x512xf32>
    %mul3A_95 = arith.mulf %mul3A_88, %add3A_94 : vector<64x32x512xf32>
    %add3A_96 = arith.constant 0.0833333358 : f32
    %add3A_97 = vector.broadcast %add3A_96 : f32 to vector<64x32x512xf32>
    %add3A_98 = arith.addf %add3A_97, %mul3A_95 : vector<64x32x512xf32>
    %mul3A_99 = arith.mulf %div3A_87, %add3A_98 : vector<64x32x512xf32>
    %sub3A_100 = arith.constant 5.000000e-01 : f32
    %sub3A_101 = vector.broadcast %sub3A_100 : f32 to vector<64x32x512xf32>
    %sub3A_102 = arith.subf %add3A_85, %sub3A_101 : vector<64x32x512xf32>
    %log3A_103 = math.log %add3A_85 : vector<64x32x512xf32>
    %mul3A_104 = arith.mulf %sub3A_102, %log3A_103 : vector<64x32x512xf32>
    %sub3A_105 = arith.subf %mul3A_104, %add3A_85 : vector<64x32x512xf32>
    %add3A_106 = arith.addf %sub3A_105, %mul3A_99 : vector<64x32x512xf32>
    %add3A_107 = arith.constant 4.000000e+00 : f32
    %add3A_108 = vector.broadcast %add3A_107 : f32 to vector<64x32x512xf32>
    %add3A_109 = arith.addf %add3A_58, %add3A_108 : vector<64x32x512xf32>
    %div3A_110 = arith.constant 1.000000e+00 : f32
    %div3A_111 = vector.broadcast %div3A_110 : f32 to vector<64x32x512xf32>
    %div3A_112 = arith.divf %div3A_111, %add3A_109 : vector<64x32x512xf32>
    %mul3A_113 = arith.mulf %div3A_112, %div3A_112 : vector<64x32x512xf32>
    %mul3A_114 = arith.constant 7.93650805E-4 : f32
    %mul3A_115 = vector.broadcast %mul3A_114 : f32 to vector<64x32x512xf32>
    %mul3A_116 = arith.mulf %mul3A_113, %mul3A_115 : vector<64x32x512xf32>
    %add3A_117 = arith.constant -0.00277777785 : f32
    %add3A_118 = vector.broadcast %add3A_117 : f32 to vector<64x32x512xf32>
    %add3A_119 = arith.addf %add3A_118, %mul3A_116 : vector<64x32x512xf32>
    %mul3A_120 = arith.mulf %mul3A_113, %add3A_119 : vector<64x32x512xf32>
    %add3A_121 = arith.constant 0.0833333358 : f32
    %add3A_122 = vector.broadcast %add3A_121 : f32 to vector<64x32x512xf32>
    %add3A_123 = arith.addf %add3A_122, %mul3A_120 : vector<64x32x512xf32>
    %mul3A_124 = arith.mulf %div3A_112, %add3A_123 : vector<64x32x512xf32>
    %sub3A_125 = arith.constant 5.000000e-01 : f32
    %sub3A_126 = vector.broadcast %sub3A_125 : f32 to vector<64x32x512xf32>
    %sub3A_127 = arith.subf %add3A_109, %sub3A_126 : vector<64x32x512xf32>
    %log3A_128 = math.log %add3A_109 : vector<64x32x512xf32>
    %mul3A_129 = arith.mulf %sub3A_127, %log3A_128 : vector<64x32x512xf32>
    %sub3A_130 = arith.subf %mul3A_129, %add3A_109 : vector<64x32x512xf32>
    %add3A_131 = arith.addf %sub3A_130, %mul3A_124 : vector<64x32x512xf32>
    %sub3A_132 = arith.subf %add3A_106, %add3A_131 : vector<64x32x512xf32>
    %div3A_133 = arith.divf %mul3A_73, %mul3A_82 : vector<64x32x512xf32>
    %log3A_134 = math.log %div3A_133 : vector<64x32x512xf32>
    %add3A_135 = arith.addf %sub3A_132, %log3A_134 : vector<64x32x512xf32>
    %add3A_136 = arith.addf %sub3A_61, %add3A_135 : vector<64x32x512xf32>
    %broadcast_in_dim3A_137 = vector.shape_cast %slice3A_28 : vector<32x512xf32> to vector<1x32x512xf32>
    %add3A_138 = vector.broadcast %broadcast_in_dim3A_137 : vector<1x32x512xf32> to vector<64x32x512xf32>
    %add3A_139 = arith.addf %add3A_136, %add3A_138 : vector<64x32x512xf32>
    %swap3A_140 = arith.constant 0 : index
    %swap3A_141 = arith.constant 0 : index
    %swap3A_142 = arith.constant 0 : index
    %swap3A_143 = vector.load %arg10[%swap3A_140, %swap3A_141, %swap3A_142] : memref<64x32x512xf32, #tpu.memory_space<vmem>>, vector<64x32x512xf32>
    tpu.vector_store %arg10[%swap3A_140, %swap3A_141, %swap3A_142], %add3A_139 {strides = array<i32>} : memref<64x32x512xf32, #tpu.memory_space<vmem>>, vector<64x32x512xf32>,
    return
  }
  func.func @transform_0(%arg0: i32) -> (i32, i32, i32) {
    %add3A = arith.constant 10 : i32
    %add3A_0 = arith.addi %arg0, %add3A : i32
    %c0_i32 = arith.constant 0 : i32
    %c0_i32_1 = arith.constant 0 : i32
    %c0_i32_2 = arith.constant 0 : i32
    return %add3A_0, %c0_i32, %c0_i32_1 : i32, i32, i32
  }
  func.func @transform_1(%arg0: i32) -> (i32, i32) {
    %add3A = arith.constant 10 : i32
    %add3A_0 = arith.addi %arg0, %add3A : i32
    %c0_i32 = arith.constant 0 : i32
    %c0_i32_1 = arith.constant 0 : i32
    return %c0_i32, %add3A_0 : i32, i32
  }
  func.func @transform_2(%arg0: i32) -> (i32, i32) {
    %c0_i32 = arith.constant 0 : i32
    %c0_i32_0 = arith.constant 0 : i32
    return %arg0, %c0_i32 : i32, i32
  }
  func.func @transform_3(%arg0: i32) -> (i32, i32) {
    %c0_i32 = arith.constant 0 : i32
    %c0_i32_0 = arith.constant 0 : i32
    return %arg0, %c0_i32 : i32, i32
  }
  func.func @transform_4(%arg0: i32) -> (i32, i32) {
    %c0_i32 = arith.constant 0 : i32
    %c0_i32_0 = arith.constant 0 : i32
    %c0_i32_1 = arith.constant 0 : i32
    return %c0_i32, %c0_i32_0 : i32, i32
  }
  func.func @transform_5(%arg0: i32) -> (i32, i32) {
    %c0_i32 = arith.constant 0 : i32
    %c0_i32_0 = arith.constant 0 : i32
    %c0_i32_1 = arith.constant 0 : i32
    return %c0_i32, %c0_i32_0 : i32, i32
  }
  func.func @transform_8(%arg0: i32) -> (i32, i32, i32) {
    %add3A = arith.constant 10 : i32
    %add3A_0 = arith.addi %arg0, %add3A : i32
    %c0_i32 = arith.constant 0 : i32
    %c0_i32_1 = arith.constant 0 : i32
    %c0_i32_2 = arith.constant 0 : i32
    return %c0_i32, %c0_i32_1, %add3A_0 : i32, i32, i32
  }
  func.func @transform_9(%arg0: i32) -> (i32, i32, i32) {
    %add3A = arith.constant 10 : i32
    %add3A_0 = arith.addi %arg0, %add3A : i32
    %c0_i32 = arith.constant 0 : i32
    %c0_i32_1 = arith.constant 0 : i32
    %c0_i32_2 = arith.constant 0 : i32
    return %c0_i32, %c0_i32_1, %add3A_0 : i32, i32, i32
  }
}

</mosaic_0001>

<sc_bundles>
// kernel: kernel.10.cloned.1.call-start
scs
__scs_entry_jumppad:
0x0: {  	(pc) =	sbr.rel $0x88, $3  }
0x1: {  	(tag) =	ssettag $0x0;
	lr =	simm.s32 $0x1  }
0x2: {  	[smem:$0x3F98] =	sst lr;
	_ =	strace $0xD0000000  }
0x3: {  	_ = 	snop  }
0x4: {  	_ = 	snop  }
0x5: {  	_ = 	snop  }
0x6: {  	_ = 	snop  }
0x7: {  	_ = 	snop  }
__scs_overlays_trampoline_lowered:
0x8: {  	[smem:$0x3FA7] =	sst s0  }
0x9: {  	[smem:$0x3FA8] =	sst s1  }
0xa: {  	[smem:$0x3FA9] =	sst s2  }
0xb: {  	[smem:$0x3FAA] =	sst s3  }
0xc: {  	[smem:$0x3FAB] =	sst s4  }
0xd: {  	[smem:$0x3FAC] =	sst s5  }
0xe: {  	[smem:$0x3FAD] =	sst s6  }
0xf: {  	[smem:$0x3FAE] =	sst s7  }
0x10: {  	[smem:$0x3FAF] =	sst s8  }
0x11: {  	[smem:$0x3FB0] =	sst s9;
	s0 =	simm.s32 @!p0 $0x0  }
0x12: {  	s1 =	sld [smem:$0x3F96];
	s0 =	simm.s32 @p0 $0x1  }
0x13: {  	[smem:$0x3FB1] =	sst s0;
	s0 =	simm.s32 @!p1 $0x0  }
0x14: {  	s2 =	sld [smem:$0x3F95];
	s0 =	simm.s32 @p1 $0x1  }
0x15: {  	[smem:$0x3FB2] =	sst s0;
	s0 =	simm.s32 @!p2 $0x0  }
0x16: {  	s3 =	sld [smem:$0x3FDB];
	s0 =	simm.s32 @p2 $0x1  }
0x17: {  	s4 =	simm.s32 $0x1BF5;
	[smem:$0x3FB4] =	sst s0  }
0x18: {  	s0 =	sld [smem:$0x3F97];
	_ =	swait.ge [sflag:s4], $0x0  }
0x19: {  	s7 =	sld [smem:$0x3F98]  }
0x1a: {  	s8 =	sadd.s32 $0xFFFFE003, lr  }
0x1b: {  	s9 =	sadd.s32 $0xFFFFFEF7, lr;
	s5 =	simm.s32 $0xFFFFFFFF;
	p2 =	slt.u32 s8, $0xFFFFF086  }
0x1c: {  	p1 =	slt.u32 s9, $0xF7A;
	s5 =	simm.s32 @!p2 $0x0  }
0x1d: {  	s5 =	simm.s32 @p1 $0x1;
	p0 =	seq.s32 s7, s2  }
0x1e: {  	s7 =	smul.u32 @!p0 $0xF7A, s2;
	p2 =	seq.s32 @!p0 s5, $0x0  }
0x1f: {  	s9 =	smul.u32 $0xF7A, s1;
	s8 =	simm.s32 @!p0 $0x1BF5;
	p2 =	por !p2, p0  }
0x20: {  	[sflag:s8] =	ssyncset.s32 @!p0 $0xFFFFF086;
	s6 =	sadd.s32 @!p0 s3, s7;
	s7 =	simm.s32 @!p0 $0x108  }
0x21: {  	s3 =	sadd.s32 s3, s9;
	s6 =	sadd.s32 @!p0 $0x88, s6;
	s7 =	simm.s32 @p2 $0x1082  }
0x22: {  	[simem:s7], [sflag:s8] =	dma.local @!p0 [hbm:s6], $0xF7A  }
0x23: {  	s9 =	sor.u32 $0xD0000000, s2;
	s6 =	simm.s32 $0x108;
	_ =	swait.ge @!p0 [sflag:s8], $0x0  }
0x24: {  	s3 =	sadd.s32 $0x88, s3;
	s6 =	simm.s32 @!p1 $0x1082;
	[sflag:s4] =	ssyncset.s32 $0xFFFFF086  }
0x25: {  	[simem:s6], [sflag:s4] =	dma.local [hbm:s3], $0xF7A  }
0x26: {  	[smem:$0x3F98] =	sst s1;
	(tag) =	ssettag s2;
	_ =	strace s9  }
0x27: {  	s1 =	sld [smem:$0x3FA8]  }
0x28: {  	s2 =	sld [smem:$0x3FA9]  }
0x29: {  	s4 =	sld [smem:$0x3FAB]  }
0x2a: {  	p0 =	seq.s32 s5, $0x0;
	s5 =	sld [smem:$0x3FAC]  }
0x2b: {  	s6 =	sld [smem:$0x3FAD]  }
0x2c: {  	s7 =	sld [smem:$0x3FAE]  }
0x2d: {  	s3 =	simm.s32 $0x108;
	s8 =	sld [smem:$0x3FAF]  }
0x2e: {  	s3 =	simm.s32 @!p0 $0x1082;
	s9 =	sld [smem:$0x3FB0]  }
0x2f: {  	lr =	sadd.s32 s0, s3;
	s0 =	sld [smem:$0x3FA7]  }
0x30: {  	s3 =	sld [smem:$0x3FAA]  }
0x31: {  	[smem:$0x3FB3] =	sst s10  }
0x32: {  	s10 =	sld [smem:$0x3FB1];
	_ =	sdelay $0x3  }
0x33: {  	p0 =	seq.s32 s10, $0x1;
	s10 =	sld [smem:$0x3FB3];
	_ =	sdelay $0x3  }
0x34: {  	[smem:$0x3FB3] =	sst s10  }
0x35: {  	s10 =	sld [smem:$0x3FB2];
	_ =	sdelay $0x3  }
0x36: {  	p1 =	seq.s32 s10, $0x1;
	s10 =	sld [smem:$0x3FB3];
	_ =	sdelay $0x3  }
0x37: {  	[smem:$0x3FB3] =	sst s10  }
0x38: {  	s10 =	sld [smem:$0x3FB4]  }
0x39: {  	_ = 	snop;
	(pc) =	sbr.ind lr, $3  }
0x3a: {  	_ = 	snop  }
0x3b: {  	_ = 	snop  }
0x3c: {  	p2 =	seq.s32 s10, $0x1;
	s10 =	sld [smem:$0x3FB3]  }
0x3d: {  	_ =	shalt  }
0x3e: {  	_ =	shalt  }
0x3f: {  	_ =	shalt  }
0x40: {  	_ =	shalt  }
0x41: {  	_ =	shalt  }
0x42: {  	_ =	shalt  }
0x43: {  	_ =	shalt  }
0x44: {  	_ =	shalt  }
0x45: {  	_ =	shalt  }
0x46: {  	_ =	shalt  }
0x47: {  	_ =	shalt  }
0x48: {  	_ =	shalt  }
0x49: {  	_ =	shalt  }
0x4a: {  	_ =	shalt  }
0x4b: {  	_ =	shalt  }
0x4c: {  	_ =	shalt  }
0x4d: {  	_ =	shalt  }
0x4e: {  	_ =	shalt  }
0x4f: {  	_ =	shalt  }
0x50: {  	_ =	shalt  }
0x51: {  	_ =	shalt  }
0x52: {  	_ =	shalt  }
0x53: {  	_ =	shalt  }
0x54: {  	_ =	shalt  }
0x55: {  	_ =	shalt  }
0x56: {  	_ =	shalt  }
0x57: {  	_ =	shalt  }
0x58: {  	_ =	shalt  }
0x59: {  	_ =	shalt  }
0x5a: {  	_ =	shalt  }
0x5b: {  	_ =	shalt  }
0x5c: {  	_ =	shalt  }
0x5d: {  	_ =	shalt  }
0x5e: {  	_ =	shalt  }
0x5f: {  	_ =	shalt  }
0x60: {  	_ =	shalt  }
0x61: {  	_ =	shalt  }
0x62: {  	_ =	shalt  }
0x63: {  	_ =	shalt  }
0x64: {  	_ =	shalt  }
0x65: {  	_ =	shalt  }
0x66: {  	_ =	shalt  }
0x67: {  	_ =	shalt  }
0x68: {  	_ =	shalt  }
0x69: {  	_ =	shalt  }
0x6a: {  	_ =	shalt  }
0x6b: {  	_ =	shalt  }
0x6c: {  	_ =	shalt  }
0x6d: {  	_ =	shalt  }
0x6e: {  	_ =	shalt  }
0x6f: {  	_ =	shalt  }
0x70: {  	_ =	shalt  }
0x71: {  	_ =	shalt  }
0x72: {  	_ =	shalt  }
0x73: {  	_ =	shalt  }
0x74: {  	_ =	shalt  }
0x75: {  	_ =	shalt  }
0x76: {  	_ =	shalt  }
0x77: {  	_ =	shalt  }
0x78: {  	_ =	shalt  }
0x79: {  	_ =	shalt  }
0x7a: {  	_ =	shalt  }
0x7b: {  	_ =	shalt  }
0x7c: {  	_ =	shalt  }
0x7d: {  	_ =	shalt  }
0x7e: {  	_ =	shalt  }
0x7f: {  	_ =	shalt  }
0x80: {  	_ =	shalt  }
0x81: {  	_ =	shalt  }
0x82: {  	_ =	shalt  }
0x83: {  	_ =	shalt  }
0x84: {  	_ =	shalt  }
0x85: {  	_ =	shalt  }
0x86: {  	_ =	shalt  }
0x87: {  	_ =	shalt  }
.Lfunc_end0:
.L_simem_size_0:
called_computation.1_lowered:
.L_overlay_start_0:
0x88: {  	s2 =	sld [smem:$0x3FD9]  }
0x89: {  	s3 =	sld [smem:$0x3FFE];
	_ =	sdelay $0x1  }
0x8a: {  	s1 =	srdreg.scid  }
0x8b: {  	s0 =	sand.u32 $0x1, s1  }
0x8c: {  	s17 =	sshll.u32 s0, $0xA;
	s2 =	sadd.s32 s3, s2  }
0x8d: {  	s2 =	sadd.s32 s2, s17  }
0x8e: {  	[smem:$0x3FBF] =	sst s2  }
0x8f: {  	_ = 	snop  }
0x90: {  	(tm) =	ssettm $0x1  }
0x91: {  	s18 =	sld [smem:$0x3FFB];
	_ =	sdelay $0x3  }
0x92: {  	_ =	strace s18  }
0x93: {  	s2 =	sld [smem:$0x3FFC];
	_ =	sdelay $0x3  }
0x94: {  	_ =	strace s2  }
0x95: {  	s2 =	sld [smem:$0x3FFD];
	_ =	sdelay $0x3  }
0x96: {  	_ =	strace s2  }
0x97: {  	_ =	strace $0x8FFFFFFF  }
0x98: {  	s19 =	sld [smem:$0x3FDB];
	_ =	sdelay $0x1  }
0x99: {  	s20 =	simm.s32 $_scs_section_size  }
0x9a: {  	s4 =	simm.s32 $_size__tile_overlayer_lowered;
	s5 =	simm.s32 $_tile_overlayer_lowered  }
0x9b: {  	s6 =	simm.s32 $0x1BFF;
	s21 =	sshll.u32 s5, $0x1;
	s3 =	sadd.s32 s20, s19  }
0x9c: {  	s22 =	simm.s32 $0x0;
	s4 =	sshll.u32 s4, $0x1;
	s5 =	sadd.s32 s21, s3  }
0x9d: {  	[timem:s22], [sflag:s6] =	dma.local [hbm:s5], s4  }
0x9e: {  	_ =	swait.ge [sflag:s6], s4  }
0x9f: {  	s4 =	ssub.s32 $0x0, s4;
	[sflag:s6] =	ssyncset.done $0x0  }
0xa0: {  	[sflag:s6] =	ssyncadd.s32 s4;
	_ =	sdelay $0x1  }
0xa1: {  	s23 =	simm.s32 $0x1B8B  }
0xa2: {  	_ =	swait.ge [sflag:s23], $0x1  }
0xa3: {  	[sflag:s23] =	ssyncset.done $0x0  }
0xa4: {  	[sflag:s23] =	ssyncadd.s32 $0xFFFFFFFF  }
0xa5: {  	s4 =	sld [smem:$0x0]  }
0xa6: {  	s5 =	sand.u32 $0xFFFFFFFE, s1  }
0xa7: {  	p0 =	sne.s32 s1, s5  }
0xa8: {  	s5 =	sshll.u32 @p0 s5, $0xE  }
0xa9: {  	s5 =	sadd.s32 @p0 $0x11B8D, s5;
	s6 =	sshll.u32 @p0 s4, $0x11  }
0xaa: {  	s5 =	sor.u32 @p0 s6, s5  }
0xab: {  	[sflag:s5] =	ssyncadd.remote.s32 @p0 $0x1;
	_ =	sdelay $0x1  }
0xac: {  	s5 =	simm.s32 @p0 $0x1B8D  }
0xad: {  	_ =	swait.eq @p0 [sflag:s5], $0x1  }
0xae: {  	[sflag:s5] =	ssyncadd.s32 @p0 $0xFFFFFFFF  }
0xaf: {  	s6 =	sshll.u32 @!p0 s1, $0xE  }
0xb0: {  	s6 =	sor.u32 @!p0 $0x4000, s6;
	s5 =	simm.s32 @!p0 $0x1B8D  }
0xb1: {  	s4 =	sshll.u32 @!p0 s4, $0x11;
	s6 =	sadd.s32 @!p0 $0x11B8D, s6;
	_ =	swait.eq @!p0 [sflag:s5], $0x1  }
0xb2: {  	s4 =	sor.u32 @!p0 s4, s6;
	[sflag:s5] =	ssyncadd.s32 @!p0 $0xFFFFFFFF  }
0xb3: {  	s25 =	simm.s32 $0x1B8E;
	s24 =	sld [smem:$0x3FFE];
	[sflag:s4] =	ssyncadd.remote.s32 @!p0 $0x1  }
0xb4: {  	s26 =	simm.s32 $execute0_lowered;
	[smem:$0x3FD2] =	sst s25  }
0xb5: {  	s5 =	sshll.u32 s26, $0x1;
	_ =	strace $0x80000049;
	[dreg:$0x1] =	wrdreg $0xFFFFFFFF  }
0xb6: {  	s28 =	simm.s32 $_size_execute0_lowered;
	s3 =	sadd.s32 s3, s5;
	[dreg:$0x0] =	wrdreg $0x0  }
0xb7: {  	s5 =	sshll.u32 s28, $0x1;
	[dreg:$0x2] =	wrdreg s3  }
0xb8: {  	[dreg:$0x3] =	wrdreg s5  }
0xb9: {  	[dreg:$0x4] =	wrdreg $0xC0  }
0xba: {  	_ =	task [dreg:s22], $0x5FFFF  }
0xbb: {  	[dreg:$0x1] =	wrdreg $0xFFFFFFFF  }
0xbc: {  	[dreg:$0x0] =	wrdreg $0x60  }
0xbd: {  	[dreg:$0x2] =	wrdreg s24  }
0xbe: {  	[dreg:$0x3] =	wrdreg $0xA  }
0xbf: {  	_ =	task.clear_ibuf [dreg:s22], $0x4FFFF;
	_ =	strace $0x90000049  }
0xc0: {  	s29 =	simm.s32 $0xA;
	_ =	strace $0x8000004B  }
0xc1: {  	_ =	swait.ge [sflag:s29], $0x1  }
0xc2: {  	[sflag:s29] =	ssyncadd.s32 $0xFFFFFFFF  }
0xc3: {  	_ =	strace $0x9000004B  }
0xc4: {  	_ =	sfence  }
0xc5: {  	s30 =	sld [smem:$0x0];
	_ =	sdelay $0x2  }
0xc6: {  	s31 =	sshll.u32 s1, $0xD;
	s1 =	sshrl.u32 s1, $0x2  }
0xc7: {  	s4 =	sand.u32 $0x4000, s31;
	s1 =	sadd.s32 s1, s30  }
0xc8: {  	s0 =	sor.u32 s4, s0;
	s1 =	sshll.u32 s1, $0x11  }
0xc9: {  	s0 =	sor.u32 s1, s0  }
0xca: {  	s0 =	sadd.s32 $0x8F2B, s0  }
0xcb: {  	[sflag:s0] =	ssyncadd.remote.s32 $0x1  }
0xcc: {  	_ =	sfence.sel $0xFFFF  }
0xcd: {  	[dreg:$0x0] =	wrdreg $0xFFFFFFFF;
	(pc) =	sbr.abs _section_cstart, $3  }
0xce: {  	[dreg:$0x1] =	wrdreg $0xFFFFFFFF  }
0xcf: {  	_ =	task.clear_ibuf [dreg:s22], $0x2FFFF;
	_ =	strace $0x9FFFFFFF  }
0xd0: {  	(tm) =	ssettm $0x7FFFFFFF  }
0xd1: {  	_ =	shalt  }
tec
execute0_lowered:
.L_overlay_start_1:
0x0: {  	(tag) =	ssettag $0x1  }
0x1: {  	s1 =	srdreg.scid;
	s0 =	stileid.u32  }
0x2: {  	s17 =	sand.u32 $0x1, s1;
	s30 =	sshll.u32 s0, $0x1  }
0x3: {  	s18 =	sor.u32 s17, s30  }
0x4: {  	s19 =	rddreg [dreg:$0x0];
	s3 =	smul.u32 $0x14, s18  }
0x5: {  	s2 =	simm.s32 $0x0;
	s1 =	rddreg [dreg:$0x1]  }
0x6: {  	[smem:$0x7FF] =	sst s2;
	s5 =	sadd.s32 s3, s19  }
0x7: {  	_ =	strace $0x8000004A;
	s3 =	simm.s32 $0x2;
	s4 =	sadd.s32 $0xC600, s5  }
0x8: {  	[tilespmem:s2], [sflag:$0x2] =	stream.linear.gather [hbm4b:s4+s2], $0xA0, $0x38;
	[tilespmem:$0xA200] =	vst v63  }
0x9: {  	_ =	swait.ge [sflag:s3], $0xA0  }
0xa: {  	[sflag:s3] =	ssyncset.done $0x0  }
0xb: {  	s6 =	simm.s32 $0x100;
	s5 =	sadd.s32 $0xC200, s5;
	[sflag:s3] =	ssyncadd.s32 $0xFFFFFF60  }
0xc: {  	[tilespmem:s6], [sflag:$0x2] =	stream.linear.gather [hbm4b:s5+s2], $0xA0, $0x38;
	[tilespmem:$0xA200] =	vst v63  }
0xd: {  	_ =	swait.ge [sflag:s3], $0xA0  }
0xe: {  	s8 =	simm.s32 $0x80;
	[sflag:s3] =	ssyncset.done $0x0  }
0xf: {  	s9 =	simm.s32 $0x200;
	s7 =	sadd.s32 $0x3C00, s19;
	[sflag:s3] =	ssyncadd.s32 $0xFFFFFF60  }
0x10: {  	[tilespmem:s9], [sflag:$0x1] =	stream.indirect.gather [hbm4b:s7+s8], $0x80, s2, s8, $0xb8;
	[tilespmem:$0xA200] =	vst v63  }
0x11: {  	s11 =	simm.s32 $0x5200;
	s10 =	sadd.s32 $0xCA00, s19  }
0x12: {  	[tilespmem:s11], [sflag:$0x1] =	stream.indirect.gather [hbm4b:s10+s8], $0x80, s6, s8, $0xb8;
	[tilespmem:$0xA200] =	vst v63  }
0x13: {  	s12 =	simm.s32 $0x20;
	s13 =	simm.s32 $0x4200  }
0x14: {  	[tilespmem:s13], [sflag:$0x1] =	stream.indirect.gather [hbm4b:s7+s12], $0x80, s8, s12, $0xb8;
	[tilespmem:$0xA200] =	vst v63  }
0x15: {  	s14 =	simm.s32 $0x180;
	s15 =	simm.s32 $0x9200;
	s16 =	simm.s32 $0x1  }
0x16: {  	[tilespmem:s15], [sflag:$0x1] =	stream.indirect.gather [hbm4b:s10+s12], $0x80, s14, s12, $0xb8;
	[tilespmem:$0xA200] =	vst v63  }
0x17: {  	_ =	swait.ge [sflag:s16], $0x4000  }
0x18: {  	[sflag:s16] =	ssyncset.done $0x0  }
0x19: {  	[sflag:s16] =	ssyncadd.s32 $0xFFFFC000  }
0x1a: {  	_ =	swait.ge [sflag:s16], $0x4000  }
0x1b: {  	[sflag:s16] =	ssyncset.done $0x0  }
0x1c: {  	[sflag:s16] =	ssyncadd.s32 $0xFFFFC000  }
0x1d: {  	_ =	swait.ge [sflag:s16], $0x1000  }
0x1e: {  	[sflag:s16] =	ssyncset.done $0x0  }
0x1f: {  	s31 =	ssub.s32 $0x2, s17;
	s18 =	smul.u32 $0xA00, s18;
	[sflag:s16] =	ssyncadd.s32 $0xFFFFF000  }
0x20: {  	s20 =	sshrl.u32 s31, $0x1;
	_ =	swait.ge [sflag:s16], $0x1000  }
0x21: {  	s18 =	sadd.s32 s18, s19;
	s19 =	ssub.s32 s31, s20;
	[sflag:s16] =	ssyncset.done $0x0  }
0x22: {  	s17 =	sadd.s32 $0x20400, s18;
	s19 =	smax.u32 s19, $0x1;
	[sflag:s16] =	ssyncadd.s32 $0xFFFFF000  }
0x23: {  	[hbm4b:s17+s2] =	stream.linear.scatter [tilespmem:s9], [sflag:$0x2], $0x5000, $0x38;
	[tilespmem:$0xA200] =	vst v63  }
0x24: {  	p0 =	sne.s32 s19, $0x1;
	_ =	swait.ge [sflag:s3], $0x5000  }
.Ltmp0:
0x25: {  	[sflag:s3] =	ssyncset.done $0x0;
	(pc) =	sbr.rel @!p0 .LBB2_2-.Ltmp0, $4  }
0x26: {  	s18 =	sadd.s32 $0x34400, s18;
	[sflag:s3] =	ssyncadd.s32 $0xFFFFB000  }
0x27: {  	[hbm4b:s18+s2] =	stream.linear.scatter [tilespmem:s11], [sflag:$0x2], $0x5000, $0x38;
	[tilespmem:$0xA200] =	vst v63  }
0x28: {  	_ =	swait.ge [sflag:s3], $0x5000  }
0x29: {  	s19 =	sadd.s32 $0xFFFFFFFF, s19;
	[sflag:s3] =	ssyncset.done $0x0  }
.LBB2_1:
0x2a: {  	p0 =	sne.s32 s19, $0x1;
	s19 =	sadd.s32 $0xFFFFFFFF, s19;
	[sflag:s3] =	ssyncadd.s32 $0xFFFFB000  }
0x2b: {  	[tilespmem:s2], [sflag:$0x2] =	stream.linear.gather [hbm4b:s4+s2], $0xA0, $0x38;
	[tilespmem:$0xA200] =	vst v63  }
0x2c: {  	_ =	swait.ge [sflag:s3], $0xA0  }
0x2d: {  	[sflag:s3] =	ssyncset.done $0x0  }
0x2e: {  	[sflag:s3] =	ssyncadd.s32 $0xFFFFFF60  }
0x2f: {  	[tilespmem:s6], [sflag:$0x2] =	stream.linear.gather [hbm4b:s5+s2], $0xA0, $0x38;
	[tilespmem:$0xA200] =	vst v63  }
0x30: {  	_ =	swait.ge [sflag:s3], $0xA0  }
0x31: {  	[sflag:s3] =	ssyncset.done $0x0  }
0x32: {  	[sflag:s3] =	ssyncadd.s32 $0xFFFFFF60  }
0x33: {  	[tilespmem:s9], [sflag:$0x1] =	stream.indirect.gather [hbm4b:s7+s8], $0x80, s2, s8, $0xb8;
	[tilespmem:$0xA200] =	vst v63  }
0x34: {  	_ = 	snop  }
0x35: {  	[tilespmem:s11], [sflag:$0x1] =	stream.indirect.gather [hbm4b:s10+s8], $0x80, s6, s8, $0xb8;
	[tilespmem:$0xA200] =	vst v63  }
0x36: {  	_ = 	snop  }
0x37: {  	[tilespmem:s13], [sflag:$0x1] =	stream.indirect.gather [hbm4b:s7+s12], $0x80, s8, s12, $0xb8;
	[tilespmem:$0xA200] =	vst v63  }
0x38: {  	_ = 	snop  }
0x39: {  	[tilespmem:s15], [sflag:$0x1] =	stream.indirect.gather [hbm4b:s10+s12], $0x80, s14, s12, $0xb8;
	[tilespmem:$0xA200] =	vst v63  }
0x3a: {  	_ =	swait.ge [sflag:s16], $0x4000  }
0x3b: {  	[sflag:s16] =	ssyncset.done $0x0  }
0x3c: {  	[sflag:s16] =	ssyncadd.s32 $0xFFFFC000  }
0x3d: {  	_ =	swait.ge [sflag:s16], $0x4000  }
0x3e: {  	[sflag:s16] =	ssyncset.done $0x0  }
0x3f: {  	[sflag:s16] =	ssyncadd.s32 $0xFFFFC000  }
0x40: {  	_ =	swait.ge [sflag:s16], $0x1000  }
0x41: {  	[sflag:s16] =	ssyncset.done $0x0  }
0x42: {  	[sflag:s16] =	ssyncadd.s32 $0xFFFFF000  }
0x43: {  	_ =	swait.ge [sflag:s16], $0x1000  }
0x44: {  	[sflag:s16] =	ssyncset.done $0x0  }
0x45: {  	[sflag:s16] =	ssyncadd.s32 $0xFFFFF000  }
0x46: {  	[hbm4b:s17+s2] =	stream.linear.scatter [tilespmem:s9], [sflag:$0x2], $0x5000, $0x38;
	[tilespmem:$0xA200] =	vst v63  }
0x47: {  	_ =	swait.ge [sflag:s3], $0x5000  }
.Ltmp1:
0x48: {  	[sflag:s3] =	ssyncset.done $0x0;
	(pc) =	sbr.rel @p0 .LBB2_1-.Ltmp1, $4  }
0x49: {  	[sflag:s3] =	ssyncadd.s32 $0xFFFFB000  }
0x4a: {  	[hbm4b:s18+s2] =	stream.linear.scatter [tilespmem:s11], [sflag:$0x2], $0x5000, $0x38;
	[tilespmem:$0xA200] =	vst v63  }
0x4b: {  	_ =	swait.ge [sflag:s3], $0x5000  }
0x4c: {  	[sflag:s3] =	ssyncset.done $0x0  }
.LBB2_2:
0x4d: {  	[sflag:s3] =	ssyncadd.s32 $0xFFFFB000  }
0x4e: {  	_ =	sfence.sel $0x180000  }
0x4f: {  	[bflag:$0x0] =	sbarrier.arrive $0xFFFF  }
0x50: {  	p0 =	sne.s32 s0, $0x0;
	_ =	strace $0x9000004A  }
0x51: {  	s0 =	sadd.s32 @!p0 $0x100000, s1;
	[bflag:$0x2] =	sbarrier.arrive $0xFFFF  }
0x52: {  	[sflag:s0] =	ssyncadd.tile.s32 @!p0 $0x1;
	_ =	shalt  }
.Lfunc_end2:
_tile_overlayer_lowered:
.L_overlay_start_2:
0x53: {  	(tag) =	ssettag $0x2  }
0x54: {  	s0 =	rddreg [dreg:$0x0];
	s2 =	stileid.u32  }
0x55: {  	s1 =	rddreg [dreg:$0x1];
	p0 =	sne.s32 s2, $0x0  }
0x56: {  	s3 =	rddreg [dreg:$0x2];
	[bflag:$0x3] =	sbarrier.arrive $0xFFFF;
	s2 =	simm.s32 @!p0 $0x1C02  }
0x57: {  	[timem:s3], [sflag:s2] =	dma.local @!p0 [hbm:s0], s1  }
0x58: {  	s0 =	simm.s32 @!p0 $0x2  }
0x59: {  	_ =	swait.ge @!p0 [sflag:s0], s1  }
0x5a: {  	s1 =	ssub.s32 @!p0 $0x0, s1;
	[sflag:s0] =	ssyncset.done @!p0 $0x0  }
0x5b: {  	[sflag:s0] =	ssyncadd.s32 @!p0 s1  }
0x5c: {  	[bflag:$0x3] =	sbarrier.arrive $0xFFFF  }
0x5d: {  	_ =	shalt  }

// kernel: kernel.7.cloned.1.call-start
scs
__scs_entry_jumppad:
0x0: {  	(pc) =	sbr.rel $0x88, $3  }
0x1: {  	(tag) =	ssettag $0x0;
	lr =	simm.s32 $0x1  }
0x2: {  	[smem:$0x3F98] =	sst lr;
	_ =	strace $0xD0000000  }
0x3: {  	_ = 	snop  }
0x4: {  	_ = 	snop  }
0x5: {  	_ = 	snop  }
0x6: {  	_ = 	snop  }
0x7: {  	_ = 	snop  }
__scs_overlays_trampoline_lowered:
0x8: {  	[smem:$0x3FA7] =	sst s0  }
0x9: {  	[smem:$0x3FA8] =	sst s1  }
0xa: {  	[smem:$0x3FA9] =	sst s2  }
0xb: {  	[smem:$0x3FAA] =	sst s3  }
0xc: {  	[smem:$0x3FAB] =	sst s4  }
0xd: {  	[smem:$0x3FAC] =	sst s5  }
0xe: {  	[smem:$0x3FAD] =	sst s6  }
0xf: {  	[smem:$0x3FAE] =	sst s7  }
0x10: {  	[smem:$0x3FAF] =	sst s8  }
0x11: {  	[smem:$0x3FB0] =	sst s9;
	s0 =	simm.s32 @!p0 $0x0  }
0x12: {  	s1 =	sld [smem:$0x3F96];
	s0 =	simm.s32 @p0 $0x1  }
0x13: {  	[smem:$0x3FB1] =	sst s0;
	s0 =	simm.s32 @!p1 $0x0  }
0x14: {  	s2 =	sld [smem:$0x3F95];
	s0 =	simm.s32 @p1 $0x1  }
0x15: {  	[smem:$0x3FB2] =	sst s0;
	s0 =	simm.s32 @!p2 $0x0  }
0x16: {  	s3 =	sld [smem:$0x3FDB];
	s0 =	simm.s32 @p2 $0x1  }
0x17: {  	s4 =	simm.s32 $0x1BF5;
	[smem:$0x3FB4] =	sst s0  }
0x18: {  	s0 =	sld [smem:$0x3F97];
	_ =	swait.ge [sflag:s4], $0x0  }
0x19: {  	s7 =	sld [smem:$0x3F98]  }
0x1a: {  	s8 =	sadd.s32 $0xFFFFE003, lr  }
0x1b: {  	s9 =	sadd.s32 $0xFFFFFEF7, lr;
	s5 =	simm.s32 $0xFFFFFFFF;
	p2 =	slt.u32 s8, $0xFFFFF086  }
0x1c: {  	p1 =	slt.u32 s9, $0xF7A;
	s5 =	simm.s32 @!p2 $0x0  }
0x1d: {  	s5 =	simm.s32 @p1 $0x1;
	p0 =	seq.s32 s7, s2  }
0x1e: {  	s7 =	smul.u32 @!p0 $0xF7A, s2;
	p2 =	seq.s32 @!p0 s5, $0x0  }
0x1f: {  	s9 =	smul.u32 $0xF7A, s1;
	s8 =	simm.s32 @!p0 $0x1BF5;
	p2 =	por !p2, p0  }
0x20: {  	[sflag:s8] =	ssyncset.s32 @!p0 $0xFFFFF086;
	s6 =	sadd.s32 @!p0 s3, s7;
	s7 =	simm.s32 @!p0 $0x108  }
0x21: {  	s3 =	sadd.s32 s3, s9;
	s6 =	sadd.s32 @!p0 $0x88, s6;
	s7 =	simm.s32 @p2 $0x1082  }
0x22: {  	[simem:s7], [sflag:s8] =	dma.local @!p0 [hbm:s6], $0xF7A  }
0x23: {  	s9 =	sor.u32 $0xD0000000, s2;
	s6 =	simm.s32 $0x108;
	_ =	swait.ge @!p0 [sflag:s8], $0x0  }
0x24: {  	s3 =	sadd.s32 $0x88, s3;
	s6 =	simm.s32 @!p1 $0x1082;
	[sflag:s4] =	ssyncset.s32 $0xFFFFF086  }
0x25: {  	[simem:s6], [sflag:s4] =	dma.local [hbm:s3], $0xF7A  }
0x26: {  	[smem:$0x3F98] =	sst s1;
	(tag) =	ssettag s2;
	_ =	strace s9  }
0x27: {  	s1 =	sld [smem:$0x3FA8]  }
0x28: {  	s2 =	sld [smem:$0x3FA9]  }
0x29: {  	s4 =	sld [smem:$0x3FAB]  }
0x2a: {  	p0 =	seq.s32 s5, $0x0;
	s5 =	sld [smem:$0x3FAC]  }
0x2b: {  	s6 =	sld [smem:$0x3FAD]  }
0x2c: {  	s7 =	sld [smem:$0x3FAE]  }
0x2d: {  	s3 =	simm.s32 $0x108;
	s8 =	sld [smem:$0x3FAF]  }
0x2e: {  	s3 =	simm.s32 @!p0 $0x1082;
	s9 =	sld [smem:$0x3FB0]  }
0x2f: {  	lr =	sadd.s32 s0, s3;
	s0 =	sld [smem:$0x3FA7]  }
0x30: {  	s3 =	sld [smem:$0x3FAA]  }
0x31: {  	[smem:$0x3FB3] =	sst s10  }
0x32: {  	s10 =	sld [smem:$0x3FB1];
	_ =	sdelay $0x3  }
0x33: {  	p0 =	seq.s32 s10, $0x1;
	s10 =	sld [smem:$0x3FB3];
	_ =	sdelay $0x3  }
0x34: {  	[smem:$0x3FB3] =	sst s10  }
0x35: {  	s10 =	sld [smem:$0x3FB2];
	_ =	sdelay $0x3  }
0x36: {  	p1 =	seq.s32 s10, $0x1;
	s10 =	sld [smem:$0x3FB3];
	_ =	sdelay $0x3  }
0x37: {  	[smem:$0x3FB3] =	sst s10  }
0x38: {  	s10 =	sld [smem:$0x3FB4]  }
0x39: {  	_ = 	snop;
	(pc) =	sbr.ind lr, $3  }
0x3a: {  	_ = 	snop  }
0x3b: {  	_ = 	snop  }
0x3c: {  	p2 =	seq.s32 s10, $0x1;
	s10 =	sld [smem:$0x3FB3]  }
0x3d: {  	_ =	shalt  }
0x3e: {  	_ =	shalt  }
0x3f: {  	_ =	shalt  }
0x40: {  	_ =	shalt  }
0x41: {  	_ =	shalt  }
0x42: {  	_ =	shalt  }
0x43: {  	_ =	shalt  }
0x44: {  	_ =	shalt  }
0x45: {  	_ =	shalt  }
0x46: {  	_ =	shalt  }
0x47: {  	_ =	shalt  }
0x48: {  	_ =	shalt  }
0x49: {  	_ =	shalt  }
0x4a: {  	_ =	shalt  }
0x4b: {  	_ =	shalt  }
0x4c: {  	_ =	shalt  }
0x4d: {  	_ =	shalt  }
0x4e: {  	_ =	shalt  }
0x4f: {  	_ =	shalt  }
0x50: {  	_ =	shalt  }
0x51: {  	_ =	shalt  }
0x52: {  	_ =	shalt  }
0x53: {  	_ =	shalt  }
0x54: {  	_ =	shalt  }
0x55: {  	_ =	shalt  }
0x56: {  	_ =	shalt  }
0x57: {  	_ =	shalt  }
0x58: {  	_ =	shalt  }
0x59: {  	_ =	shalt  }
0x5a: {  	_ =	shalt  }
0x5b: {  	_ =	shalt  }
0x5c: {  	_ =	shalt  }
0x5d: {  	_ =	shalt  }
0x5e: {  	_ =	shalt  }
0x5f: {  	_ =	shalt  }
0x60: {  	_ =	shalt  }
0x61: {  	_ =	shalt  }
0x62: {  	_ =	shalt  }
0x63: {  	_ =	shalt  }
0x64: {  	_ =	shalt  }
0x65: {  	_ =	shalt  }
0x66: {  	_ =	shalt  }
0x67: {  	_ =	shalt  }
0x68: {  	_ =	shalt  }
0x69: {  	_ =	shalt  }
0x6a: {  	_ =	shalt  }
0x6b: {  	_ =	shalt  }
0x6c: {  	_ =	shalt  }
0x6d: {  	_ =	shalt  }
0x6e: {  	_ =	shalt  }
0x6f: {  	_ =	shalt  }
0x70: {  	_ =	shalt  }
0x71: {  	_ =	shalt  }
0x72: {  	_ =	shalt  }
0x73: {  	_ =	shalt  }
0x74: {  	_ =	shalt  }
0x75: {  	_ =	shalt  }
0x76: {  	_ =	shalt  }
0x77: {  	_ =	shalt  }
0x78: {  	_ =	shalt  }
0x79: {  	_ =	shalt  }
0x7a: {  	_ =	shalt  }
0x7b: {  	_ =	shalt  }
0x7c: {  	_ =	shalt  }
0x7d: {  	_ =	shalt  }
0x7e: {  	_ =	shalt  }
0x7f: {  	_ =	shalt  }
0x80: {  	_ =	shalt  }
0x81: {  	_ =	shalt  }
0x82: {  	_ =	shalt  }
0x83: {  	_ =	shalt  }
0x84: {  	_ =	shalt  }
0x85: {  	_ =	shalt  }
0x86: {  	_ =	shalt  }
0x87: {  	_ =	shalt  }
.Lfunc_end0:
.L_simem_size_0:
called_computation_lowered:
.L_overlay_start_0:
0x88: {  	s2 =	sld [smem:$0x3FD9]  }
0x89: {  	s3 =	sld [smem:$0x3FFE];
	_ =	sdelay $0x1  }
0x8a: {  	s1 =	srdreg.scid  }
0x8b: {  	s0 =	sand.u32 $0x1, s1  }
0x8c: {  	s14 =	sshll.u32 s0, $0xA;
	s2 =	sadd.s32 s3, s2  }
0x8d: {  	s2 =	sadd.s32 s2, s14  }
0x8e: {  	[smem:$0x3FBF] =	sst s2  }
0x8f: {  	_ = 	snop  }
0x90: {  	s2 =	sld [smem:$0x3FD0];
	_ =	sdelay $0x2  }
0x91: {  	s15 =	simm.s32 $0xB;
	s4 =	simm.s32 $0x10  }
0x92: {  	[smem:s4], [sflag:s15] =	dma.local [hbm:s2], $0x1  }
0x93: {  	_ =	swait.eq [sflag:s15], $0x1  }
0x94: {  	[sflag:s15] =	ssyncset.done $0x0  }
0x95: {  	s16 =	sld [smem:$0x10];
	[sflag:s15] =	ssyncadd.s32 $0xFFFFFFFF  }
0x96: {  	s17 =	sld [smem:$0x11];
	(tm) =	ssettm $0x1  }
0x97: {  	s18 =	sld [smem:$0x3FFB];
	_ =	sdelay $0x3  }
0x98: {  	_ =	strace s18  }
0x99: {  	s4 =	sld [smem:$0x3FFC];
	_ =	sdelay $0x3  }
0x9a: {  	_ =	strace s4  }
0x9b: {  	s4 =	sld [smem:$0x3FFD];
	_ =	sdelay $0x3  }
0x9c: {  	_ =	strace s4  }
0x9d: {  	_ =	strace $0x8FFFFFFF  }
0x9e: {  	s19 =	sld [smem:$0x3FDB];
	_ =	sdelay $0x1  }
0x9f: {  	s5 =	simm.s32 $_scs_section_size  }
0xa0: {  	s6 =	simm.s32 $_size__tile_overlayer_lowered;
	s7 =	simm.s32 $_tile_overlayer_lowered  }
0xa1: {  	s22 =	simm.s32 $0x1BFF;
	s21 =	sshll.u32 s7, $0x1;
	s4 =	sadd.s32 s5, s19  }
0xa2: {  	s8 =	simm.s32 $0x0;
	s20 =	sshll.u32 s6, $0x1;
	s6 =	sadd.s32 s21, s4  }
0xa3: {  	[timem:s8], [sflag:s22] =	dma.local [hbm:s6], s20  }
0xa4: {  	_ =	swait.ge [sflag:s22], s20  }
0xa5: {  	s5 =	ssub.s32 $0x0, s20;
	[sflag:s22] =	ssyncset.done $0x0  }
0xa6: {  	[sflag:s22] =	ssyncadd.s32 s5;
	_ =	sdelay $0x1  }
0xa7: {  	s23 =	simm.s32 $0x1B8B  }
0xa8: {  	_ =	swait.ge [sflag:s23], $0x1  }
0xa9: {  	[sflag:s23] =	ssyncset.done $0x0  }
0xaa: {  	s25 =	simm.s32 $0x1B8E;
	s24 =	sld [smem:$0x3FFE];
	[sflag:s23] =	ssyncadd.s32 $0xFFFFFFFF  }
0xab: {  	s26 =	simm.s32 $execute0_lowered;
	[smem:$0x3FD2] =	sst s25  }
0xac: {  	s6 =	sshll.u32 s26, $0x1;
	_ =	strace $0x80000046;
	[dreg:$0x1] =	wrdreg $0xFFFFFFFF  }
0xad: {  	s28 =	simm.s32 $_size_execute0_lowered;
	s4 =	sadd.s32 s4, s6;
	[dreg:$0x0] =	wrdreg $0x0  }
0xae: {  	s6 =	sshll.u32 s28, $0x1;
	[dreg:$0x2] =	wrdreg s4  }
0xaf: {  	[dreg:$0x3] =	wrdreg s6  }
0xb0: {  	[dreg:$0x4] =	wrdreg $0xC0  }
0xb1: {  	_ =	task [dreg:s8], $0x5FFFF  }
0xb2: {  	[dreg:$0x1] =	wrdreg $0xFFFFFFFF  }
0xb3: {  	[dreg:$0x0] =	wrdreg $0x60  }
0xb4: {  	[dreg:$0x2] =	wrdreg s24  }
0xb5: {  	[dreg:$0x3] =	wrdreg s17  }
0xb6: {  	[dreg:$0x4] =	wrdreg s16  }
0xb7: {  	[dreg:$0x5] =	wrdreg $0x9  }
0xb8: {  	_ =	task.clear_ibuf [dreg:s8], $0x6FFFF;
	_ =	strace $0x90000046  }
0xb9: {  	s29 =	simm.s32 $0x9;
	_ =	strace $0x80000048  }
0xba: {  	_ =	swait.ge [sflag:s29], $0x1  }
0xbb: {  	[sflag:s29] =	ssyncadd.s32 $0xFFFFFFFF  }
0xbc: {  	_ =	strace $0x90000048  }
0xbd: {  	_ =	sfence  }
0xbe: {  	s30 =	sld [smem:$0x0];
	_ =	sdelay $0x2  }
0xbf: {  	s31 =	sshll.u32 s1, $0xD;
	s1 =	sshrl.u32 s1, $0x2  }
0xc0: {  	s3 =	sand.u32 $0x4000, s31;
	s1 =	sadd.s32 s1, s30  }
0xc1: {  	s0 =	sor.u32 s3, s0;
	s1 =	sshll.u32 s1, $0x11  }
0xc2: {  	s0 =	sor.u32 s1, s0  }
0xc3: {  	s0 =	sadd.s32 $0x8F2B, s0  }
0xc4: {  	[sflag:s0] =	ssyncadd.remote.s32 $0x1  }
0xc5: {  	_ =	sfence.sel $0xFFFF  }
0xc6: {  	[dreg:$0x0] =	wrdreg $0xFFFFFFFF;
	(pc) =	sbr.abs _section_cstart, $3  }
0xc7: {  	[dreg:$0x1] =	wrdreg $0xFFFFFFFF  }
0xc8: {  	_ =	task.clear_ibuf [dreg:s8], $0x2FFFF;
	_ =	strace $0x9FFFFFFF  }
0xc9: {  	(tm) =	ssettm $0x7FFFFFFF  }
tec
execute0_lowered:
.L_overlay_start_1:
0x0: {  	(tag) =	ssettag $0x1  }
0x1: {  	s1 =	srdreg.scid;
	s0 =	stileid.u32  }
0x2: {  	s10 =	rddreg [dreg:$0x0];
	s17 =	sand.u32 $0x1, s1;
	s29 =	sshll.u32 s0, $0x1  }
0x3: {  	s18 =	rddreg [dreg:$0x1];
	s19 =	sor.u32 s17, s29  }
0x4: {  	s20 =	rddreg [dreg:$0x2];
	s3 =	smul.u32 $0x14, s19  }
0x5: {  	s2 =	simm.s32 $0x0;
	s1 =	rddreg [dreg:$0x3]  }
0x6: {  	[smem:$0x7FF] =	sst s2;
	s5 =	sadd.s32 s3, s10  }
0x7: {  	_ =	strace $0x80000047;
	s3 =	simm.s32 $0x2;
	s4 =	sadd.s32 $0xBE00, s5  }
0x8: {  	[tilespmem:s2], [sflag:$0x2] =	stream.linear.gather [hbm4b:s4+s2], $0xA0, $0x38;
	[tilespmem:$0xA200] =	vst v63  }
0x9: {  	_ =	swait.ge [sflag:s3], $0xA0  }
0xa: {  	[sflag:s3] =	ssyncset.done $0x0  }
0xb: {  	s6 =	simm.s32 $0x100;
	s5 =	sadd.s32 $0xBA00, s5;
	[sflag:s3] =	ssyncadd.s32 $0xFFFFFF60  }
0xc: {  	[tilespmem:s6], [sflag:$0x2] =	stream.linear.gather [hbm4b:s5+s2], $0xA0, $0x38;
	[tilespmem:$0xA200] =	vst v63  }
0xd: {  	_ =	swait.ge [sflag:s3], $0xA0  }
0xe: {  	s8 =	simm.s32 $0x80;
	[sflag:s3] =	ssyncset.done $0x0  }
0xf: {  	s9 =	simm.s32 $0x200;
	s7 =	sadd.s32 $0x3C00, s10;
	[sflag:s3] =	ssyncadd.s32 $0xFFFFFF60  }
0x10: {  	[tilespmem:s9], [sflag:$0x1] =	stream.indirect.gather [hbm4b:s7+s8], $0x80, s2, s8, $0xb8;
	[tilespmem:$0xA200] =	vst v63  }
0x11: {  	s11 =	simm.s32 $0x5200;
	s10 =	sadd.s32 $0xCA00, s10  }
0x12: {  	[tilespmem:s11], [sflag:$0x1] =	stream.indirect.gather [hbm4b:s10+s8], $0x80, s6, s8, $0xb8;
	[tilespmem:$0xA200] =	vst v63  }
0x13: {  	s12 =	simm.s32 $0x20;
	s13 =	simm.s32 $0x4200  }
0x14: {  	[tilespmem:s13], [sflag:$0x1] =	stream.indirect.gather [hbm4b:s7+s12], $0x80, s8, s12, $0xb8;
	[tilespmem:$0xA200] =	vst v63  }
0x15: {  	s14 =	simm.s32 $0x180;
	s15 =	simm.s32 $0x9200;
	s16 =	simm.s32 $0x1  }
0x16: {  	[tilespmem:s15], [sflag:$0x1] =	stream.indirect.gather [hbm4b:s10+s12], $0x80, s14, s12, $0xb8;
	[tilespmem:$0xA200] =	vst v63  }
0x17: {  	_ =	swait.ge [sflag:s16], $0x4000  }
0x18: {  	[sflag:s16] =	ssyncset.done $0x0  }
0x19: {  	[sflag:s16] =	ssyncadd.s32 $0xFFFFC000  }
0x1a: {  	_ =	swait.ge [sflag:s16], $0x4000  }
0x1b: {  	[sflag:s16] =	ssyncset.done $0x0  }
0x1c: {  	[sflag:s16] =	ssyncadd.s32 $0xFFFFC000  }
0x1d: {  	_ =	swait.ge [sflag:s16], $0x1000  }
0x1e: {  	[sflag:s16] =	ssyncset.done $0x0  }
0x1f: {  	s21 =	ssub.s32 $0x2, s17;
	[sflag:s16] =	ssyncadd.s32 $0xFFFFF000  }
0x20: {  	s19 =	smul.u32 $0xA00, s19;
	s30 =	sshrl.u32 s21, $0x1;
	_ =	swait.ge [sflag:s16], $0x1000  }
0x21: {  	s21 =	ssub.s32 s21, s30;
	[sflag:s16] =	ssyncset.done $0x0  }
0x22: {  	s17 =	sadd.s32 s18, s19;
	s31 =	smax.u32 s21, $0x1;
	[sflag:s16] =	ssyncadd.s32 $0xFFFFF000  }
0x23: {  	[hbm4b:s17+s2] =	stream.linear.scatter [tilespmem:s9], [sflag:$0x2], $0x5000, $0x38;
	[tilespmem:$0xA200] =	vst v63  }
0x24: {  	p0 =	sne.s32 s31, $0x1;
	_ =	swait.ge [sflag:s3], $0x5000  }
.Ltmp0:
0x25: {  	[sflag:s3] =	ssyncset.done $0x0;
	(pc) =	sbr.rel @!p0 .LBB2_2-.Ltmp0, $4  }
0x26: {  	s18 =	sadd.s32 s20, s19;
	[sflag:s3] =	ssyncadd.s32 $0xFFFFB000  }
0x27: {  	[hbm4b:s18+s2] =	stream.linear.scatter [tilespmem:s11], [sflag:$0x2], $0x5000, $0x38;
	[tilespmem:$0xA200] =	vst v63  }
0x28: {  	_ =	swait.ge [sflag:s3], $0x5000  }
0x29: {  	s19 =	sadd.s32 $0xFFFFFFFF, s31;
	[sflag:s3] =	ssyncset.done $0x0  }
.LBB2_1:
0x2a: {  	p0 =	sne.s32 s19, $0x1;
	s19 =	sadd.s32 $0xFFFFFFFF, s19;
	[sflag:s3] =	ssyncadd.s32 $0xFFFFB000  }
0x2b: {  	[tilespmem:s2], [sflag:$0x2] =	stream.linear.gather [hbm4b:s4+s2], $0xA0, $0x38;
	[tilespmem:$0xA200] =	vst v63  }
0x2c: {  	_ =	swait.ge [sflag:s3], $0xA0  }
0x2d: {  	[sflag:s3] =	ssyncset.done $0x0  }
0x2e: {  	[sflag:s3] =	ssyncadd.s32 $0xFFFFFF60  }
0x2f: {  	[tilespmem:s6], [sflag:$0x2] =	stream.linear.gather [hbm4b:s5+s2], $0xA0, $0x38;
	[tilespmem:$0xA200] =	vst v63  }
0x30: {  	_ =	swait.ge [sflag:s3], $0xA0  }
0x31: {  	[sflag:s3] =	ssyncset.done $0x0  }
0x32: {  	[sflag:s3] =	ssyncadd.s32 $0xFFFFFF60  }
0x33: {  	[tilespmem:s9], [sflag:$0x1] =	stream.indirect.gather [hbm4b:s7+s8], $0x80, s2, s8, $0xb8;
	[tilespmem:$0xA200] =	vst v63  }
0x34: {  	_ = 	snop  }
0x35: {  	[tilespmem:s11], [sflag:$0x1] =	stream.indirect.gather [hbm4b:s10+s8], $0x80, s6, s8, $0xb8;
	[tilespmem:$0xA200] =	vst v63  }
0x36: {  	_ = 	snop  }
0x37: {  	[tilespmem:s13], [sflag:$0x1] =	stream.indirect.gather [hbm4b:s7+s12], $0x80, s8, s12, $0xb8;
	[tilespmem:$0xA200] =	vst v63  }
0x38: {  	_ = 	snop  }
0x39: {  	[tilespmem:s15], [sflag:$0x1] =	stream.indirect.gather [hbm4b:s10+s12], $0x80, s14, s12, $0xb8;
	[tilespmem:$0xA200] =	vst v63  }
0x3a: {  	_ =	swait.ge [sflag:s16], $0x4000  }
0x3b: {  	[sflag:s16] =	ssyncset.done $0x0  }
0x3c: {  	[sflag:s16] =	ssyncadd.s32 $0xFFFFC000  }
0x3d: {  	_ =	swait.ge [sflag:s16], $0x4000  }
0x3e: {  	[sflag:s16] =	ssyncset.done $0x0  }
0x3f: {  	[sflag:s16] =	ssyncadd.s32 $0xFFFFC000  }
0x40: {  	_ =	swait.ge [sflag:s16], $0x1000  }
0x41: {  	[sflag:s16] =	ssyncset.done $0x0  }
0x42: {  	[sflag:s16] =	ssyncadd.s32 $0xFFFFF000  }
0x43: {  	_ =	swait.ge [sflag:s16], $0x1000  }
0x44: {  	[sflag:s16] =	ssyncset.done $0x0  }
0x45: {  	[sflag:s16] =	ssyncadd.s32 $0xFFFFF000  }
0x46: {  	[hbm4b:s17+s2] =	stream.linear.scatter [tilespmem:s9], [sflag:$0x2], $0x5000, $0x38;
	[tilespmem:$0xA200] =	vst v63  }
0x47: {  	_ =	swait.ge [sflag:s3], $0x5000  }
.Ltmp1:
0x48: {  	[sflag:s3] =	ssyncset.done $0x0;
	(pc) =	sbr.rel @p0 .LBB2_1-.Ltmp1, $4  }
0x49: {  	[sflag:s3] =	ssyncadd.s32 $0xFFFFB000  }
0x4a: {  	[hbm4b:s18+s2] =	stream.linear.scatter [tilespmem:s11], [sflag:$0x2], $0x5000, $0x38;
	[tilespmem:$0xA200] =	vst v63  }
0x4b: {  	_ =	swait.ge [sflag:s3], $0x5000  }
0x4c: {  	[sflag:s3] =	ssyncset.done $0x0  }
.LBB2_2:
0x4d: {  	[sflag:s3] =	ssyncadd.s32 $0xFFFFB000  }
0x4e: {  	_ =	sfence.sel $0x180000  }
0x4f: {  	[bflag:$0x0] =	sbarrier.arrive $0xFFFF  }
0x50: {  	p0 =	sne.s32 s0, $0x0;
	_ =	strace $0x90000047  }
0x51: {  	s0 =	sadd.s32 @!p0 $0x100000, s1;
	[bflag:$0x2] =	sbarrier.arrive $0xFFFF  }
0x52: {  	[sflag:s0] =	ssyncadd.tile.s32 @!p0 $0x1;
	_ =	shalt  }
.Lfunc_end2:
_tile_overlayer_lowered:
.L_overlay_start_2:
0x53: {  	(tag) =	ssettag $0x2  }
0x54: {  	s0 =	rddreg [dreg:$0x0];
	s2 =	stileid.u32  }
0x55: {  	s1 =	rddreg [dreg:$0x1];
	p0 =	sne.s32 s2, $0x0  }
0x56: {  	s3 =	rddreg [dreg:$0x2];
	[bflag:$0x3] =	sbarrier.arrive $0xFFFF;
	s2 =	simm.s32 @!p0 $0x1C02  }
0x57: {  	[timem:s3], [sflag:s2] =	dma.local @!p0 [hbm:s0], s1  }
0x58: {  	s0 =	simm.s32 @!p0 $0x2  }
0x59: {  	_ =	swait.ge @!p0 [sflag:s0], s1  }
0x5a: {  	s1 =	ssub.s32 @!p0 $0x0, s1;
	[sflag:s0] =	ssyncset.done @!p0 $0x0  }
0x5b: {  	[sflag:s0] =	ssyncadd.s32 @!p0 s1  }
0x5c: {  	[bflag:$0x3] =	sbarrier.arrive $0xFFFF  }
0x5d: {  	_ =	shalt  }

</sc_bundles>
